<compile_context>
chip_gen: v7x
topology: tpu7x:2x2x1
jax: 0.10.2.dev20260603
libtpu: 0.0.44.dev20260713+nightly
codegen_flags: <defaults>
</compile_context>

<pallas_src>
import functools

import jax
import jax.numpy as jnp
from jax import lax
from jax.experimental import pallas as pl
from jax.experimental.pallas import tpu as pltpu
from jax.experimental.pallas import tpu_sc as plsc

_NUM_CORES = 2
_NUM_SUBCORES = 16
_NUM_WORKERS = _NUM_CORES * _NUM_SUBCORES
_BLK = 128
_MARGIN = 1.0


def _make_sc_kernel(batch, num_neg, dim):
    assert batch % (_NUM_WORKERS * _BLK) == 0
    assert _BLK % num_neg == 0
    assert dim % 16 == 0
    bpw = batch // _NUM_WORKERS
    neg_blocks = bpw * num_neg // _BLK
    pos_blocks = bpw // _BLK
    b_per_neg_blk = _BLK // num_neg
    nchunk = dim // 16

    mesh = plsc.VectorSubcoreMesh(
        core_axis_name="c", subcore_axis_name="s",
        num_cores=_NUM_CORES, num_subcores=_NUM_SUBCORES)

    @functools.partial(
        pl.kernel,
        out_type=jax.ShapeDtypeStruct((_NUM_CORES, 16), jnp.float32),
        mesh=mesh,
        compiler_params=pltpu.CompilerParams(needs_layout_passes=False),
        scratch_types=[
            pltpu.VMEM((_BLK,), jnp.int32),
            pltpu.VMEM((_BLK,), jnp.int32),
            pltpu.VMEM((_BLK,), jnp.int32),
            pltpu.VMEM((_BLK, dim), jnp.float32),
            pltpu.VMEM((_BLK, dim), jnp.float32),
            pltpu.VMEM((_BLK, dim), jnp.float32),
            pltpu.VMEM((bpw * 16,), jnp.float32),
            pltpu.VMEM_SHARED((16,), jnp.float32),
            pltpu.VMEM((16,), jnp.float32),
            pltpu.SemaphoreType.DMA,
            pltpu.SemaphoreType.DMA,
            pltpu.SemaphoreType.DMA,
        ],
    )
    def transe_sc(ph, pr, pt, nh, nr, nt, ent, rel, out,
                  h_idx, r_idx, t_idx, h_rows, r_rows, t_rows,
                  comb, shared, vtmp, sem_h, sem_r, sem_t):
        c = lax.axis_index("c")
        s = lax.axis_index("s")
        wid = s * _NUM_CORES + c
        base_b = wid * bpw

        def fetch(h_src, r_src, t_src, off):
            pltpu.sync_copy(h_src.at[pl.ds(off, _BLK)], h_idx)
            pltpu.sync_copy(r_src.at[pl.ds(off, _BLK)], r_idx)
            pltpu.sync_copy(t_src.at[pl.ds(off, _BLK)], t_idx)
            dh = pltpu.async_copy(ent.at[h_idx], h_rows, sem_h)
            dr = pltpu.async_copy(rel.at[r_idx], r_rows, sem_r)
            dt = pltpu.async_copy(ent.at[t_idx], t_rows, sem_t)
            dh.wait()
            dr.wait()
            dt.wait()

        def row_abs_sum(row, acc):
            for cc in range(nchunk):
                sl = pl.ds(cc * 16, 16)
                acc = acc + jnp.abs(h_rows[row, sl] + r_rows[row, sl]
                                    - t_rows[row, sl])
            return acc

        def neg_block(blk, carry):
            fetch(nh, nr, nt, (base_b + blk * b_per_neg_blk) * num_neg)

            def per_b(bl, inner):
                def per_j(j, acc):
                    return row_abs_sum(bl * num_neg + j, acc)
                acc = lax.fori_loop(0, num_neg, per_j,
                                    jnp.zeros((16,), jnp.float32))
                comb[pl.ds((blk * b_per_neg_blk + bl) * 16, 16)] = acc
                return inner
            return lax.fori_loop(0, b_per_neg_blk, per_b, carry)

        lax.fori_loop(0, neg_blocks, neg_block, jnp.int32(0))

        def pos_block(blk, total):
            fetch(ph, pr, pt, base_b + blk * _BLK)

            def per_i(i, tot):
                acc = row_abs_sum(i, jnp.zeros((16,), jnp.float32))
                nvec = comb[pl.ds((blk * _BLK + i) * 16, 16)]
                sval = jnp.sum(acc - nvec) * (1.0 / dim) + _MARGIN
                return tot + jnp.maximum(sval, 0.0)
            return lax.fori_loop(0, _BLK, per_i, total)

        total = lax.fori_loop(0, pos_blocks, pos_block, jnp.float32(0.0))

        @pl.when(s == 0)
        def _():
            vtmp[...] = jnp.zeros((16,), jnp.float32)
            pltpu.sync_copy(vtmp, shared)
        plsc.subcore_barrier()
        vtmp[...] = jnp.full((16,), total, jnp.float32)
        pltpu.sync_copy(vtmp, shared.at[lax.iota(jnp.int32, 16)], add=True)
        plsc.subcore_barrier()

        @pl.when(s == 0)
        def _():
            pltpu.sync_copy(shared, vtmp)
            pltpu.sync_copy(vtmp, out.at[c])

    return transe_sc


def kernel(pos, neg, labels, entity_emb, relation_emb):
    del labels
    batch, num_neg, _ = neg.shape
    dim = entity_emb.shape[1]
    pos = pos.astype(jnp.int32)
    negf = neg.reshape(-1, 3).astype(jnp.int32)
    sc = _make_sc_kernel(batch, num_neg, dim)
    out = sc(pos[:, 0], pos[:, 1], pos[:, 2],
             negf[:, 0], negf[:, 1], negf[:, 2],
             entity_emb, relation_emb)
    return out[0, 0] + out[1, 0]

# --- scband reference (transcript-rebuilt; emitter-appended) ---
"""Pipeline reference for scband-trans-e-6863357739500 (READ-ONLY COPY).

The authoritative reference and input builder live on the scoring server;
editing this copy changes nothing except your own understanding.
"""

import jax, jax.numpy as jnp
import numpy as np

NUM_ENTITY = 100000
NUM_RELATION = 100000
DIM = 128
BATCH = 16384
NUM_NEG = 16
MARGIN = 1.0


def _xavier(key, shape):
    bound = float(np.sqrt(6.0 / (shape[0] + shape[1])))
    return jax.random.uniform(key, shape, jnp.float32, -bound, bound)


def setup_inputs(seed: int = 0):
    key = jax.random.key(seed)
    k1, k2, k3, k4 = jax.random.split(key, 4)
    pos = jax.random.randint(k1, (BATCH, 3), 0, NUM_ENTITY)
    neg = jax.random.randint(k2, (BATCH, NUM_NEG, 3), 0, NUM_ENTITY)
    labels = jnp.zeros((BATCH,), jnp.int32)
    entity_emb = _xavier(k3, (NUM_ENTITY, DIM))
    relation_emb = _xavier(k4, (NUM_RELATION, DIM))
    return {"pos": pos, "neg": neg, "labels": labels,
            "entity_emb": entity_emb, "relation_emb": relation_emb}


def reference(pos, neg, labels, entity_emb, relation_emb):
    # pos.transpose(0,1) -> rows are h, r, t
    pos_h, pos_r, pos_t = pos[:, 0], pos[:, 1], pos[:, 2]
    p_h = jnp.take(entity_emb, pos_h, axis=0)
    p_t = jnp.take(entity_emb, pos_t, axis=0)
    p_r = jnp.take(relation_emb, pos_r, axis=0)
    _p_score = jnp.abs(p_h + p_r - p_t)
    negf = neg.reshape(-1, 3)
    n_h = jnp.take(entity_emb, negf[:, 0], axis=0)
    n_r = jnp.take(relation_emb, negf[:, 1], axis=0)
    n_t = jnp.take(entity_emb, negf[:, 2], axis=0)
    _n_score = jnp.abs(n_h + n_r - n_t).reshape(-1, NUM_NEG, DIM)
    n_score = jnp.sum(jnp.mean(_n_score, axis=2), axis=1)
    p_score = jnp.mean(_p_score, axis=1)
    # nn.MarginRankingLoss(margin, size_average=False) with y = -1 -> sum reduction
    y = -1.0
    loss = jnp.sum(jnp.maximum(0.0, -y * (p_score - n_score) + MARGIN))
    return loss

if __name__ == "__main__":
    import jax
    _d = setup_inputs()
    print(jax.jit(kernel)(*tuple(_d.values())))

</pallas_src>

<mosaic_0001>
#map = affine_map<(d0, d1) -> (0)>
#map1 = affine_map<(d0, d1) -> (0, 0)>
module attributes {stable_mosaic.version = 14 : i64} {
  func.func @transe_sc(%arg0: i32, %arg1: i32, %arg2: memref<16384xi32, #tpu.memory_space<hbm>>, %arg3: memref<16384xi32, #tpu.memory_space<hbm>>, %arg4: memref<16384xi32, #tpu.memory_space<hbm>>, %arg5: memref<262144xi32, #tpu.memory_space<hbm>>, %arg6: memref<262144xi32, #tpu.memory_space<hbm>>, %arg7: memref<262144xi32, #tpu.memory_space<hbm>>, %arg8: memref<100000x128xf32, #tpu.memory_space<hbm>>, %arg9: memref<100000x128xf32, #tpu.memory_space<hbm>>, %arg10: memref<2x16xf32, #tpu.memory_space<hbm>>, %arg11: memref<128xi32, #tpu.memory_space<vmem>>, %arg12: memref<128xi32, #tpu.memory_space<vmem>>, %arg13: memref<128xi32, #tpu.memory_space<vmem>>, %arg14: memref<128x128xf32, #tpu.memory_space<vmem>>, %arg15: memref<128x128xf32, #tpu.memory_space<vmem>>, %arg16: memref<128x128xf32, #tpu.memory_space<vmem>>, %arg17: memref<8192xf32, #tpu.memory_space<vmem>>, %arg18: memref<16xf32, #tpu.memory_space<vmem_shared>>, %arg19: memref<16xf32, #tpu.memory_space<vmem>>, %arg20: memref<!tpu.dma_semaphore, #tpu.memory_space<semaphore_mem>>, %arg21: memref<!tpu.dma_semaphore, #tpu.memory_space<semaphore_mem>>, %arg22: memref<!tpu.dma_semaphore, #tpu.memory_space<semaphore_mem>>) attributes {dimension_semantics = [#tpu.dimension_semantics<core_parallel>, #tpu.dimension_semantics<subcore_parallel>], iteration_bounds = array<i64: 2, 16>, scalar_prefetch = 0 : i64, scratch_operands = 12 : i64, tpu.core_type = #tpu.core_type<sc_vector_subcore>, window_params = [{transform_indices = #map}, {transform_indices = #map}, {transform_indices = #map}, {transform_indices = #map}, {transform_indices = #map}, {transform_indices = #map}, {transform_indices = #map1}, {transform_indices = #map1}, {transform_indices = #map1}]} {
    %mul3A = arith.constant 2 : i32
    %mul3A_0 = arith.muli %arg1, %mul3A : i32
    %add3A = arith.addi %mul3A_0, %arg0 : i32
    %mul3A_1 = arith.constant 512 : i32
    %mul3A_2 = arith.muli %add3A, %mul3A_1 : i32
    %scan3A = arith.constant 0 : i32
    %scan3A_3 = arith.constant 0 : i32
    %scan3A_4 = arith.constant 64 : i32
    %scan3A_5 = arith.addi %scan3A_3, %scan3A_4 : i32
    %scan3A_6 = arith.constant 1 : i32
    scf.for %scan3A_24 = %scan3A_3 to %scan3A_5 step %scan3A_6  : i32 {
      %mul3A_25 = arith.constant 8 : i32
      %mul3A_26 = arith.muli %scan3A_24, %mul3A_25 : i32
      %add3A_27 = arith.addi %mul3A_2, %mul3A_26 : i32
      %mul3A_28 = arith.constant 16 : i32
      %mul3A_29 = arith.muli %add3A_27, %mul3A_28 : i32
      "tpu.region"() ({
        %run_scoped3A = tpu.sem_alloc : memref<!tpu.dma_semaphore, #tpu.memory_space<semaphore_mem>>
        %dma_start3A_51 = tpu.memref_slice %arg5[%mul3A_29] : memref<262144xi32, #tpu.memory_space<hbm>> -> memref<128xi32, #tpu.memory_space<hbm>>
        %dma_start3A_52 = tpu.memref_slice %arg5[%mul3A_29] : memref<262144xi32, #tpu.memory_space<hbm>> -> memref<128xi32, #tpu.memory_space<hbm>>
        tpu.enqueue_dma source(%dma_start3A_52 : memref<128xi32, #tpu.memory_space<hbm>>) target(%arg11 : memref<128xi32, #tpu.memory_space<vmem>>) target_semaphore(%run_scoped3A : memref<!tpu.dma_semaphore, #tpu.memory_space<semaphore_mem>>)
        %dma_wait3A_53 = tpu.memref_slice %arg5[%mul3A_29] : memref<262144xi32, #tpu.memory_space<hbm>> -> memref<128xi32, #tpu.memory_space<hbm>>
        %dma_wait3A_54 = tpu.memref_slice %arg5[%mul3A_29] : memref<262144xi32, #tpu.memory_space<hbm>> -> memref<128xi32, #tpu.memory_space<hbm>>
        tpu.wait_dma2 semaphore(%run_scoped3A : memref<!tpu.dma_semaphore, #tpu.memory_space<semaphore_mem>>) src(%dma_wait3A_54 : memref<128xi32, #tpu.memory_space<hbm>>) dst(%arg11 : memref<128xi32, #tpu.memory_space<vmem>>)
        tpu.yield
      }) : () -> ()
      "tpu.region"() ({
        %run_scoped3A = tpu.sem_alloc : memref<!tpu.dma_semaphore, #tpu.memory_space<semaphore_mem>>
        %dma_start3A_51 = tpu.memref_slice %arg6[%mul3A_29] : memref<262144xi32, #tpu.memory_space<hbm>> -> memref<128xi32, #tpu.memory_space<hbm>>
        %dma_start3A_52 = tpu.memref_slice %arg6[%mul3A_29] : memref<262144xi32, #tpu.memory_space<hbm>> -> memref<128xi32, #tpu.memory_space<hbm>>
        tpu.enqueue_dma source(%dma_start3A_52 : memref<128xi32, #tpu.memory_space<hbm>>) target(%arg12 : memref<128xi32, #tpu.memory_space<vmem>>) target_semaphore(%run_scoped3A : memref<!tpu.dma_semaphore, #tpu.memory_space<semaphore_mem>>)
        %dma_wait3A_53 = tpu.memref_slice %arg6[%mul3A_29] : memref<262144xi32, #tpu.memory_space<hbm>> -> memref<128xi32, #tpu.memory_space<hbm>>
        %dma_wait3A_54 = tpu.memref_slice %arg6[%mul3A_29] : memref<262144xi32, #tpu.memory_space<hbm>> -> memref<128xi32, #tpu.memory_space<hbm>>
        tpu.wait_dma2 semaphore(%run_scoped3A : memref<!tpu.dma_semaphore, #tpu.memory_space<semaphore_mem>>) src(%dma_wait3A_54 : memref<128xi32, #tpu.memory_space<hbm>>) dst(%arg12 : memref<128xi32, #tpu.memory_space<vmem>>)
        tpu.yield
      }) : () -> ()
      "tpu.region"() ({
        %run_scoped3A = tpu.sem_alloc : memref<!tpu.dma_semaphore, #tpu.memory_space<semaphore_mem>>
        %dma_start3A_51 = tpu.memref_slice %arg7[%mul3A_29] : memref<262144xi32, #tpu.memory_space<hbm>> -> memref<128xi32, #tpu.memory_space<hbm>>
        %dma_start3A_52 = tpu.memref_slice %arg7[%mul3A_29] : memref<262144xi32, #tpu.memory_space<hbm>> -> memref<128xi32, #tpu.memory_space<hbm>>
        tpu.enqueue_dma source(%dma_start3A_52 : memref<128xi32, #tpu.memory_space<hbm>>) target(%arg13 : memref<128xi32, #tpu.memory_space<vmem>>) target_semaphore(%run_scoped3A : memref<!tpu.dma_semaphore, #tpu.memory_space<semaphore_mem>>)
        %dma_wait3A_53 = tpu.memref_slice %arg7[%mul3A_29] : memref<262144xi32, #tpu.memory_space<hbm>> -> memref<128xi32, #tpu.memory_space<hbm>>
        %dma_wait3A_54 = tpu.memref_slice %arg7[%mul3A_29] : memref<262144xi32, #tpu.memory_space<hbm>> -> memref<128xi32, #tpu.memory_space<hbm>>
        tpu.wait_dma2 semaphore(%run_scoped3A : memref<!tpu.dma_semaphore, #tpu.memory_space<semaphore_mem>>) src(%dma_wait3A_54 : memref<128xi32, #tpu.memory_space<hbm>>) dst(%arg13 : memref<128xi32, #tpu.memory_space<vmem>>)
        tpu.yield
      }) : () -> ()
      %dma_start3A = arith.constant 0 : i32
      %dma_start3A_30 = arith.constant 0 : i32
      %dma_start3A_31 = tpu.memref_slice %arg8[%dma_start3A, %dma_start3A_30] : memref<100000x128xf32, #tpu.memory_space<hbm>> -> memref<100000x128xf32, #tpu.memory_space<hbm>>
      tpu.enqueue_indirect_dma source(%dma_start3A_31 : memref<100000x128xf32, #tpu.memory_space<hbm>>) target(%arg14 : memref<128x128xf32, #tpu.memory_space<vmem>>) offsets(%arg11 : memref<128xi32, #tpu.memory_space<vmem>>) semaphore(%arg20 : memref<!tpu.dma_semaphore, #tpu.memory_space<semaphore_mem>>)
      %dma_start3A_32 = arith.constant 0 : i32
      %dma_start3A_33 = arith.constant 0 : i32
      %dma_start3A_34 = tpu.memref_slice %arg9[%dma_start3A_32, %dma_start3A_33] : memref<100000x128xf32, #tpu.memory_space<hbm>> -> memref<100000x128xf32, #tpu.memory_space<hbm>>
      tpu.enqueue_indirect_dma source(%dma_start3A_34 : memref<100000x128xf32, #tpu.memory_space<hbm>>) target(%arg15 : memref<128x128xf32, #tpu.memory_space<vmem>>) offsets(%arg12 : memref<128xi32, #tpu.memory_space<vmem>>) semaphore(%arg21 : memref<!tpu.dma_semaphore, #tpu.memory_space<semaphore_mem>>)
      %dma_start3A_35 = arith.constant 0 : i32
      %dma_start3A_36 = arith.constant 0 : i32
      %dma_start3A_37 = tpu.memref_slice %arg8[%dma_start3A_35, %dma_start3A_36] : memref<100000x128xf32, #tpu.memory_space<hbm>> -> memref<100000x128xf32, #tpu.memory_space<hbm>>
      tpu.enqueue_indirect_dma source(%dma_start3A_37 : memref<100000x128xf32, #tpu.memory_space<hbm>>) target(%arg16 : memref<128x128xf32, #tpu.memory_space<vmem>>) offsets(%arg13 : memref<128xi32, #tpu.memory_space<vmem>>) semaphore(%arg22 : memref<!tpu.dma_semaphore, #tpu.memory_space<semaphore_mem>>)
      %dma_wait3A = arith.constant 0 : i32
      %dma_wait3A_38 = arith.constant 0 : i32
      %dma_wait3A_39 = tpu.memref_slice %arg8[%dma_wait3A, %dma_wait3A_38] : memref<100000x128xf32, #tpu.memory_space<hbm>> -> memref<100000x128xf32, #tpu.memory_space<hbm>>
      tpu.wait_indirect_dma semaphore(%arg20 : memref<!tpu.dma_semaphore, #tpu.memory_space<semaphore_mem>>) src(%dma_wait3A_39 : memref<100000x128xf32, #tpu.memory_space<hbm>>) dst(%arg14 : memref<128x128xf32, #tpu.memory_space<vmem>>)
      %dma_wait3A_40 = arith.constant 0 : i32
      %dma_wait3A_41 = arith.constant 0 : i32
      %dma_wait3A_42 = tpu.memref_slice %arg9[%dma_wait3A_40, %dma_wait3A_41] : memref<100000x128xf32, #tpu.memory_space<hbm>> -> memref<100000x128xf32, #tpu.memory_space<hbm>>
      tpu.wait_indirect_dma semaphore(%arg21 : memref<!tpu.dma_semaphore, #tpu.memory_space<semaphore_mem>>) src(%dma_wait3A_42 : memref<100000x128xf32, #tpu.memory_space<hbm>>) dst(%arg15 : memref<128x128xf32, #tpu.memory_space<vmem>>)
      %dma_wait3A_43 = arith.constant 0 : i32
      %dma_wait3A_44 = arith.constant 0 : i32
      %dma_wait3A_45 = tpu.memref_slice %arg8[%dma_wait3A_43, %dma_wait3A_44] : memref<100000x128xf32, #tpu.memory_space<hbm>> -> memref<100000x128xf32, #tpu.memory_space<hbm>>
      tpu.wait_indirect_dma semaphore(%arg22 : memref<!tpu.dma_semaphore, #tpu.memory_space<semaphore_mem>>) src(%dma_wait3A_45 : memref<100000x128xf32, #tpu.memory_space<hbm>>) dst(%arg16 : memref<128x128xf32, #tpu.memory_space<vmem>>)
      %scan3A_46 = arith.constant 0 : i32
      %scan3A_47 = arith.constant 8 : i32
      %scan3A_48 = arith.addi %scan3A_46, %scan3A_47 : i32
      %scan3A_49 = arith.constant 1 : i32
      scf.for %scan3A_51 = %scan3A_46 to %scan3A_48 step %scan3A_49  : i32 {
        %broadcast_in_dim3A_52 = arith.constant 0.000000e+00 : f32
        %broadcast_in_dim3A_53 = vector.broadcast %broadcast_in_dim3A_52 : f32 to vector<16xf32>
        %scan3A_54 = arith.constant 0 : i32
        %scan3A_55 = arith.constant 16 : i32
        %scan3A_56 = arith.addi %scan3A_54, %scan3A_55 : i32
        %scan3A_57 = arith.constant 1 : i32
        %scan3A_58 = scf.for %scan3A_67 = %scan3A_54 to %scan3A_56 step %scan3A_57 iter_args(%scan3A_68 = %broadcast_in_dim3A_53) -> (vector<16xf32>)  : i32 {
          %mul3A_69 = arith.constant 16 : i32
          %mul3A_70 = arith.muli %scan3A_51, %mul3A_69 : i32
          %add3A_71 = arith.addi %mul3A_70, %scan3A_67 : i32
          %get3A = arith.index_cast %add3A_71 : i32 to index
          %get3A_72 = arith.constant 0 : index
          %get3A_73 = tpu.vector_load %arg14[%get3A, %get3A_72] {strides = array<i32>} : memref<128x128xf32, #tpu.memory_space<vmem>>, vector<16xf32>,
          %get3A_74 = arith.index_cast %add3A_71 : i32 to index
          %get3A_75 = arith.constant 0 : index
          %get3A_76 = tpu.vector_load %arg15[%get3A_74, %get3A_75] {strides = array<i32>} : memref<128x128xf32, #tpu.memory_space<vmem>>, vector<16xf32>,
          %add3A_77 = arith.addf %get3A_73, %get3A_76 : vector<16xf32>
          %get3A_78 = arith.index_cast %add3A_71 : i32 to index
          %get3A_79 = arith.constant 0 : index
          %get3A_80 = tpu.vector_load %arg16[%get3A_78, %get3A_79] {strides = array<i32>} : memref<128x128xf32, #tpu.memory_space<vmem>>, vector<16xf32>,
          %sub3A = arith.subf %add3A_77, %get3A_80 : vector<16xf32>
          %abs3A = math.absf %sub3A : vector<16xf32>
          %add3A_81 = arith.addf %scan3A_68, %abs3A : vector<16xf32>
          %get3A_82 = arith.index_cast %add3A_71 : i32 to index
          %get3A_83 = arith.constant 16 : index
          %get3A_84 = tpu.vector_load %arg14[%get3A_82, %get3A_83] {strides = array<i32>} : memref<128x128xf32, #tpu.memory_space<vmem>>, vector<16xf32>,
          %get3A_85 = arith.index_cast %add3A_71 : i32 to index
          %get3A_86 = arith.constant 16 : index
          %get3A_87 = tpu.vector_load %arg15[%get3A_85, %get3A_86] {strides = array<i32>} : memref<128x128xf32, #tpu.memory_space<vmem>>, vector<16xf32>,
          %add3A_88 = arith.addf %get3A_84, %get3A_87 : vector<16xf32>
          %get3A_89 = arith.index_cast %add3A_71 : i32 to index
          %get3A_90 = arith.constant 16 : index
          %get3A_91 = tpu.vector_load %arg16[%get3A_89, %get3A_90] {strides = array<i32>} : memref<128x128xf32, #tpu.memory_space<vmem>>, vector<16xf32>,
          %sub3A_92 = arith.subf %add3A_88, %get3A_91 : vector<16xf32>
          %abs3A_93 = math.absf %sub3A_92 : vector<16xf32>
          %add3A_94 = arith.addf %add3A_81, %abs3A_93 : vector<16xf32>
          %get3A_95 = arith.index_cast %add3A_71 : i32 to index
          %get3A_96 = arith.constant 32 : index
          %get3A_97 = tpu.vector_load %arg14[%get3A_95, %get3A_96] {strides = array<i32>} : memref<128x128xf32, #tpu.memory_space<vmem>>, vector<16xf32>,
          %get3A_98 = arith.index_cast %add3A_71 : i32 to index
          %get3A_99 = arith.constant 32 : index
          %get3A_100 = tpu.vector_load %arg15[%get3A_98, %get3A_99] {strides = array<i32>} : memref<128x128xf32, #tpu.memory_space<vmem>>, vector<16xf32>,
          %add3A_101 = arith.addf %get3A_97, %get3A_100 : vector<16xf32>
          %get3A_102 = arith.index_cast %add3A_71 : i32 to index
          %get3A_103 = arith.constant 32 : index
          %get3A_104 = tpu.vector_load %arg16[%get3A_102, %get3A_103] {strides = array<i32>} : memref<128x128xf32, #tpu.memory_space<vmem>>, vector<16xf32>,
          %sub3A_105 = arith.subf %add3A_101, %get3A_104 : vector<16xf32>
          %abs3A_106 = math.absf %sub3A_105 : vector<16xf32>
          %add3A_107 = arith.addf %add3A_94, %abs3A_106 : vector<16xf32>
          %get3A_108 = arith.index_cast %add3A_71 : i32 to index
          %get3A_109 = arith.constant 48 : index
          %get3A_110 = tpu.vector_load %arg14[%get3A_108, %get3A_109] {strides = array<i32>} : memref<128x128xf32, #tpu.memory_space<vmem>>, vector<16xf32>,
          %get3A_111 = arith.index_cast %add3A_71 : i32 to index
          %get3A_112 = arith.constant 48 : index
          %get3A_113 = tpu.vector_load %arg15[%get3A_111, %get3A_112] {strides = array<i32>} : memref<128x128xf32, #tpu.memory_space<vmem>>, vector<16xf32>,
          %add3A_114 = arith.addf %get3A_110, %get3A_113 : vector<16xf32>
          %get3A_115 = arith.index_cast %add3A_71 : i32 to index
          %get3A_116 = arith.constant 48 : index
          %get3A_117 = tpu.vector_load %arg16[%get3A_115, %get3A_116] {strides = array<i32>} : memref<128x128xf32, #tpu.memory_space<vmem>>, vector<16xf32>,
          %sub3A_118 = arith.subf %add3A_114, %get3A_117 : vector<16xf32>
          %abs3A_119 = math.absf %sub3A_118 : vector<16xf32>
          %add3A_120 = arith.addf %add3A_107, %abs3A_119 : vector<16xf32>
          %get3A_121 = arith.index_cast %add3A_71 : i32 to index
          %get3A_122 = arith.constant 64 : index
          %get3A_123 = tpu.vector_load %arg14[%get3A_121, %get3A_122] {strides = array<i32>} : memref<128x128xf32, #tpu.memory_space<vmem>>, vector<16xf32>,
          %get3A_124 = arith.index_cast %add3A_71 : i32 to index
          %get3A_125 = arith.constant 64 : index
          %get3A_126 = tpu.vector_load %arg15[%get3A_124, %get3A_125] {strides = array<i32>} : memref<128x128xf32, #tpu.memory_space<vmem>>, vector<16xf32>,
          %add3A_127 = arith.addf %get3A_123, %get3A_126 : vector<16xf32>
          %get3A_128 = arith.index_cast %add3A_71 : i32 to index
          %get3A_129 = arith.constant 64 : index
          %get3A_130 = tpu.vector_load %arg16[%get3A_128, %get3A_129] {strides = array<i32>} : memref<128x128xf32, #tpu.memory_space<vmem>>, vector<16xf32>,
          %sub3A_131 = arith.subf %add3A_127, %get3A_130 : vector<16xf32>
          %abs3A_132 = math.absf %sub3A_131 : vector<16xf32>
          %add3A_133 = arith.addf %add3A_120, %abs3A_132 : vector<16xf32>
          %get3A_134 = arith.index_cast %add3A_71 : i32 to index
          %get3A_135 = arith.constant 80 : index
          %get3A_136 = tpu.vector_load %arg14[%get3A_134, %get3A_135] {strides = array<i32>} : memref<128x128xf32, #tpu.memory_space<vmem>>, vector<16xf32>,
          %get3A_137 = arith.index_cast %add3A_71 : i32 to index
          %get3A_138 = arith.constant 80 : index
          %get3A_139 = tpu.vector_load %arg15[%get3A_137, %get3A_138] {strides = array<i32>} : memref<128x128xf32, #tpu.memory_space<vmem>>, vector<16xf32>,
          %add3A_140 = arith.addf %get3A_136, %get3A_139 : vector<16xf32>
          %get3A_141 = arith.index_cast %add3A_71 : i32 to index
          %get3A_142 = arith.constant 80 : index
          %get3A_143 = tpu.vector_load %arg16[%get3A_141, %get3A_142] {strides = array<i32>} : memref<128x128xf32, #tpu.memory_space<vmem>>, vector<16xf32>,
          %sub3A_144 = arith.subf %add3A_140, %get3A_143 : vector<16xf32>
          %abs3A_145 = math.absf %sub3A_144 : vector<16xf32>
          %add3A_146 = arith.addf %add3A_133, %abs3A_145 : vector<16xf32>
          %get3A_147 = arith.index_cast %add3A_71 : i32 to index
          %get3A_148 = arith.constant 96 : index
          %get3A_149 = tpu.vector_load %arg14[%get3A_147, %get3A_148] {strides = array<i32>} : memref<128x128xf32, #tpu.memory_space<vmem>>, vector<16xf32>,
          %get3A_150 = arith.index_cast %add3A_71 : i32 to index
          %get3A_151 = arith.constant 96 : index
          %get3A_152 = tpu.vector_load %arg15[%get3A_150, %get3A_151] {strides = array<i32>} : memref<128x128xf32, #tpu.memory_space<vmem>>, vector<16xf32>,
          %add3A_153 = arith.addf %get3A_149, %get3A_152 : vector<16xf32>
          %get3A_154 = arith.index_cast %add3A_71 : i32 to index
          %get3A_155 = arith.constant 96 : index
          %get3A_156 = tpu.vector_load %arg16[%get3A_154, %get3A_155] {strides = array<i32>} : memref<128x128xf32, #tpu.memory_space<vmem>>, vector<16xf32>,
          %sub3A_157 = arith.subf %add3A_153, %get3A_156 : vector<16xf32>
          %abs3A_158 = math.absf %sub3A_157 : vector<16xf32>
          %add3A_159 = arith.addf %add3A_146, %abs3A_158 : vector<16xf32>
          %get3A_160 = arith.index_cast %add3A_71 : i32 to index
          %get3A_161 = arith.constant 112 : index
          %get3A_162 = tpu.vector_load %arg14[%get3A_160, %get3A_161] {strides = array<i32>} : memref<128x128xf32, #tpu.memory_space<vmem>>, vector<16xf32>,
          %get3A_163 = arith.index_cast %add3A_71 : i32 to index
          %get3A_164 = arith.constant 112 : index
          %get3A_165 = tpu.vector_load %arg15[%get3A_163, %get3A_164] {strides = array<i32>} : memref<128x128xf32, #tpu.memory_space<vmem>>, vector<16xf32>,
          %add3A_166 = arith.addf %get3A_162, %get3A_165 : vector<16xf32>
          %get3A_167 = arith.index_cast %add3A_71 : i32 to index
          %get3A_168 = arith.constant 112 : index
          %get3A_169 = tpu.vector_load %arg16[%get3A_167, %get3A_168] {strides = array<i32>} : memref<128x128xf32, #tpu.memory_space<vmem>>, vector<16xf32>,
          %sub3A_170 = arith.subf %add3A_166, %get3A_169 : vector<16xf32>
          %abs3A_171 = math.absf %sub3A_170 : vector<16xf32>
          %add3A_172 = arith.addf %add3A_159, %abs3A_171 : vector<16xf32>
          scf.yield %add3A_172 : vector<16xf32>
        }
        %scan3A_59 = arith.constant 16 : i32
        %mul3A_60 = arith.constant 8 : i32
        %mul3A_61 = arith.muli %scan3A_24, %mul3A_60 : i32
        %add3A_62 = arith.addi %mul3A_61, %scan3A_51 : i32
        %mul3A_63 = arith.constant 16 : i32
        %mul3A_64 = arith.muli %add3A_62, %mul3A_63 : i32
        %swap3A_65 = arith.index_cast %mul3A_64 : i32 to index
        %swap3A_66 = tpu.vector_load %arg17[%swap3A_65] {strides = array<i32>} : memref<8192xf32, #tpu.memory_space<vmem>>, vector<16xf32>,
        tpu.vector_store %arg17[%swap3A_65], %scan3A_58 {strides = array<i32>} : memref<8192xf32, #tpu.memory_space<vmem>>, vector<16xf32>,
      }
      %scan3A_50 = arith.constant 8 : i32
    }
    %scan3A_7 = arith.constant 64 : i32
    %scan3A_8 = arith.constant 0.000000e+00 : f32
    %scan3A_9 = arith.constant 0 : i32
    %scan3A_10 = arith.constant 4 : i32
    %scan3A_11 = arith.addi %scan3A_9, %scan3A_10 : i32
    %scan3A_12 = arith.constant 1 : i32
    %scan3A_13 = scf.for %scan3A_24 = %scan3A_9 to %scan3A_11 step %scan3A_12 iter_args(%scan3A_25 = %scan3A_8) -> (f32)  : i32 {
      %mul3A_26 = arith.constant 128 : i32
      %mul3A_27 = arith.muli %scan3A_24, %mul3A_26 : i32
      %add3A_28 = arith.addi %mul3A_2, %mul3A_27 : i32
      "tpu.region"() ({
        %run_scoped3A = tpu.sem_alloc : memref<!tpu.dma_semaphore, #tpu.memory_space<semaphore_mem>>
        %dma_start3A_51 = tpu.memref_slice %arg2[%add3A_28] : memref<16384xi32, #tpu.memory_space<hbm>> -> memref<128xi32, #tpu.memory_space<hbm>>
        %dma_start3A_52 = tpu.memref_slice %arg2[%add3A_28] : memref<16384xi32, #tpu.memory_space<hbm>> -> memref<128xi32, #tpu.memory_space<hbm>>
        tpu.enqueue_dma source(%dma_start3A_52 : memref<128xi32, #tpu.memory_space<hbm>>) target(%arg11 : memref<128xi32, #tpu.memory_space<vmem>>) target_semaphore(%run_scoped3A : memref<!tpu.dma_semaphore, #tpu.memory_space<semaphore_mem>>)
        %dma_wait3A_53 = tpu.memref_slice %arg2[%add3A_28] : memref<16384xi32, #tpu.memory_space<hbm>> -> memref<128xi32, #tpu.memory_space<hbm>>
        %dma_wait3A_54 = tpu.memref_slice %arg2[%add3A_28] : memref<16384xi32, #tpu.memory_space<hbm>> -> memref<128xi32, #tpu.memory_space<hbm>>
        tpu.wait_dma2 semaphore(%run_scoped3A : memref<!tpu.dma_semaphore, #tpu.memory_space<semaphore_mem>>) src(%dma_wait3A_54 : memref<128xi32, #tpu.memory_space<hbm>>) dst(%arg11 : memref<128xi32, #tpu.memory_space<vmem>>)
        tpu.yield
      }) : () -> ()
      "tpu.region"() ({
        %run_scoped3A = tpu.sem_alloc : memref<!tpu.dma_semaphore, #tpu.memory_space<semaphore_mem>>
        %dma_start3A_51 = tpu.memref_slice %arg3[%add3A_28] : memref<16384xi32, #tpu.memory_space<hbm>> -> memref<128xi32, #tpu.memory_space<hbm>>
        %dma_start3A_52 = tpu.memref_slice %arg3[%add3A_28] : memref<16384xi32, #tpu.memory_space<hbm>> -> memref<128xi32, #tpu.memory_space<hbm>>
        tpu.enqueue_dma source(%dma_start3A_52 : memref<128xi32, #tpu.memory_space<hbm>>) target(%arg12 : memref<128xi32, #tpu.memory_space<vmem>>) target_semaphore(%run_scoped3A : memref<!tpu.dma_semaphore, #tpu.memory_space<semaphore_mem>>)
        %dma_wait3A_53 = tpu.memref_slice %arg3[%add3A_28] : memref<16384xi32, #tpu.memory_space<hbm>> -> memref<128xi32, #tpu.memory_space<hbm>>
        %dma_wait3A_54 = tpu.memref_slice %arg3[%add3A_28] : memref<16384xi32, #tpu.memory_space<hbm>> -> memref<128xi32, #tpu.memory_space<hbm>>
        tpu.wait_dma2 semaphore(%run_scoped3A : memref<!tpu.dma_semaphore, #tpu.memory_space<semaphore_mem>>) src(%dma_wait3A_54 : memref<128xi32, #tpu.memory_space<hbm>>) dst(%arg12 : memref<128xi32, #tpu.memory_space<vmem>>)
        tpu.yield
      }) : () -> ()
      "tpu.region"() ({
        %run_scoped3A = tpu.sem_alloc : memref<!tpu.dma_semaphore, #tpu.memory_space<semaphore_mem>>
        %dma_start3A_51 = tpu.memref_slice %arg4[%add3A_28] : memref<16384xi32, #tpu.memory_space<hbm>> -> memref<128xi32, #tpu.memory_space<hbm>>
        %dma_start3A_52 = tpu.memref_slice %arg4[%add3A_28] : memref<16384xi32, #tpu.memory_space<hbm>> -> memref<128xi32, #tpu.memory_space<hbm>>
        tpu.enqueue_dma source(%dma_start3A_52 : memref<128xi32, #tpu.memory_space<hbm>>) target(%arg13 : memref<128xi32, #tpu.memory_space<vmem>>) target_semaphore(%run_scoped3A : memref<!tpu.dma_semaphore, #tpu.memory_space<semaphore_mem>>)
        %dma_wait3A_53 = tpu.memref_slice %arg4[%add3A_28] : memref<16384xi32, #tpu.memory_space<hbm>> -> memref<128xi32, #tpu.memory_space<hbm>>
        %dma_wait3A_54 = tpu.memref_slice %arg4[%add3A_28] : memref<16384xi32, #tpu.memory_space<hbm>> -> memref<128xi32, #tpu.memory_space<hbm>>
        tpu.wait_dma2 semaphore(%run_scoped3A : memref<!tpu.dma_semaphore, #tpu.memory_space<semaphore_mem>>) src(%dma_wait3A_54 : memref<128xi32, #tpu.memory_space<hbm>>) dst(%arg13 : memref<128xi32, #tpu.memory_space<vmem>>)
        tpu.yield
      }) : () -> ()
      %dma_start3A = arith.constant 0 : i32
      %dma_start3A_29 = arith.constant 0 : i32
      %dma_start3A_30 = tpu.memref_slice %arg8[%dma_start3A, %dma_start3A_29] : memref<100000x128xf32, #tpu.memory_space<hbm>> -> memref<100000x128xf32, #tpu.memory_space<hbm>>
      tpu.enqueue_indirect_dma source(%dma_start3A_30 : memref<100000x128xf32, #tpu.memory_space<hbm>>) target(%arg14 : memref<128x128xf32, #tpu.memory_space<vmem>>) offsets(%arg11 : memref<128xi32, #tpu.memory_space<vmem>>) semaphore(%arg20 : memref<!tpu.dma_semaphore, #tpu.memory_space<semaphore_mem>>)
      %dma_start3A_31 = arith.constant 0 : i32
      %dma_start3A_32 = arith.constant 0 : i32
      %dma_start3A_33 = tpu.memref_slice %arg9[%dma_start3A_31, %dma_start3A_32] : memref<100000x128xf32, #tpu.memory_space<hbm>> -> memref<100000x128xf32, #tpu.memory_space<hbm>>
      tpu.enqueue_indirect_dma source(%dma_start3A_33 : memref<100000x128xf32, #tpu.memory_space<hbm>>) target(%arg15 : memref<128x128xf32, #tpu.memory_space<vmem>>) offsets(%arg12 : memref<128xi32, #tpu.memory_space<vmem>>) semaphore(%arg21 : memref<!tpu.dma_semaphore, #tpu.memory_space<semaphore_mem>>)
      %dma_start3A_34 = arith.constant 0 : i32
      %dma_start3A_35 = arith.constant 0 : i32
      %dma_start3A_36 = tpu.memref_slice %arg8[%dma_start3A_34, %dma_start3A_35] : memref<100000x128xf32, #tpu.memory_space<hbm>> -> memref<100000x128xf32, #tpu.memory_space<hbm>>
      tpu.enqueue_indirect_dma source(%dma_start3A_36 : memref<100000x128xf32, #tpu.memory_space<hbm>>) target(%arg16 : memref<128x128xf32, #tpu.memory_space<vmem>>) offsets(%arg13 : memref<128xi32, #tpu.memory_space<vmem>>) semaphore(%arg22 : memref<!tpu.dma_semaphore, #tpu.memory_space<semaphore_mem>>)
      %dma_wait3A = arith.constant 0 : i32
      %dma_wait3A_37 = arith.constant 0 : i32
      %dma_wait3A_38 = tpu.memref_slice %arg8[%dma_wait3A, %dma_wait3A_37] : memref<100000x128xf32, #tpu.memory_space<hbm>> -> memref<100000x128xf32, #tpu.memory_space<hbm>>
      tpu.wait_indirect_dma semaphore(%arg20 : memref<!tpu.dma_semaphore, #tpu.memory_space<semaphore_mem>>) src(%dma_wait3A_38 : memref<100000x128xf32, #tpu.memory_space<hbm>>) dst(%arg14 : memref<128x128xf32, #tpu.memory_space<vmem>>)
      %dma_wait3A_39 = arith.constant 0 : i32
      %dma_wait3A_40 = arith.constant 0 : i32
      %dma_wait3A_41 = tpu.memref_slice %arg9[%dma_wait3A_39, %dma_wait3A_40] : memref<100000x128xf32, #tpu.memory_space<hbm>> -> memref<100000x128xf32, #tpu.memory_space<hbm>>
      tpu.wait_indirect_dma semaphore(%arg21 : memref<!tpu.dma_semaphore, #tpu.memory_space<semaphore_mem>>) src(%dma_wait3A_41 : memref<100000x128xf32, #tpu.memory_space<hbm>>) dst(%arg15 : memref<128x128xf32, #tpu.memory_space<vmem>>)
      %dma_wait3A_42 = arith.constant 0 : i32
      %dma_wait3A_43 = arith.constant 0 : i32
      %dma_wait3A_44 = tpu.memref_slice %arg8[%dma_wait3A_42, %dma_wait3A_43] : memref<100000x128xf32, #tpu.memory_space<hbm>> -> memref<100000x128xf32, #tpu.memory_space<hbm>>
      tpu.wait_indirect_dma semaphore(%arg22 : memref<!tpu.dma_semaphore, #tpu.memory_space<semaphore_mem>>) src(%dma_wait3A_44 : memref<100000x128xf32, #tpu.memory_space<hbm>>) dst(%arg16 : memref<128x128xf32, #tpu.memory_space<vmem>>)
      %scan3A_45 = arith.constant 0 : i32
      %scan3A_46 = arith.constant 128 : i32
      %scan3A_47 = arith.addi %scan3A_45, %scan3A_46 : i32
      %scan3A_48 = arith.constant 1 : i32
      %scan3A_49 = scf.for %scan3A_51 = %scan3A_45 to %scan3A_47 step %scan3A_48 iter_args(%scan3A_52 = %scan3A_25) -> (f32)  : i32 {
        %broadcast_in_dim3A_53 = arith.constant 0.000000e+00 : f32
        %broadcast_in_dim3A_54 = vector.broadcast %broadcast_in_dim3A_53 : f32 to vector<16xf32>
        %get3A = arith.index_cast %scan3A_51 : i32 to index
        %get3A_55 = arith.constant 0 : index
        %get3A_56 = tpu.vector_load %arg14[%get3A, %get3A_55] {strides = array<i32>} : memref<128x128xf32, #tpu.memory_space<vmem>>, vector<16xf32>,
        %get3A_57 = arith.index_cast %scan3A_51 : i32 to index
        %get3A_58 = arith.constant 0 : index
        %get3A_59 = tpu.vector_load %arg15[%get3A_57, %get3A_58] {strides = array<i32>} : memref<128x128xf32, #tpu.memory_space<vmem>>, vector<16xf32>,
        %add3A_60 = arith.addf %get3A_56, %get3A_59 : vector<16xf32>
        %get3A_61 = arith.index_cast %scan3A_51 : i32 to index
        %get3A_62 = arith.constant 0 : index
        %get3A_63 = tpu.vector_load %arg16[%get3A_61, %get3A_62] {strides = array<i32>} : memref<128x128xf32, #tpu.memory_space<vmem>>, vector<16xf32>,
        %sub3A = arith.subf %add3A_60, %get3A_63 : vector<16xf32>
        %abs3A = math.absf %sub3A : vector<16xf32>
        %add3A_64 = arith.addf %broadcast_in_dim3A_54, %abs3A : vector<16xf32>
        %get3A_65 = arith.index_cast %scan3A_51 : i32 to index
        %get3A_66 = arith.constant 16 : index
        %get3A_67 = tpu.vector_load %arg14[%get3A_65, %get3A_66] {strides = array<i32>} : memref<128x128xf32, #tpu.memory_space<vmem>>, vector<16xf32>,
        %get3A_68 = arith.index_cast %scan3A_51 : i32 to index
        %get3A_69 = arith.constant 16 : index
        %get3A_70 = tpu.vector_load %arg15[%get3A_68, %get3A_69] {strides = array<i32>} : memref<128x128xf32, #tpu.memory_space<vmem>>, vector<16xf32>,
        %add3A_71 = arith.addf %get3A_67, %get3A_70 : vector<16xf32>
        %get3A_72 = arith.index_cast %scan3A_51 : i32 to index
        %get3A_73 = arith.constant 16 : index
        %get3A_74 = tpu.vector_load %arg16[%get3A_72, %get3A_73] {strides = array<i32>} : memref<128x128xf32, #tpu.memory_space<vmem>>, vector<16xf32>,
        %sub3A_75 = arith.subf %add3A_71, %get3A_74 : vector<16xf32>
        %abs3A_76 = math.absf %sub3A_75 : vector<16xf32>
        %add3A_77 = arith.addf %add3A_64, %abs3A_76 : vector<16xf32>
        %get3A_78 = arith.index_cast %scan3A_51 : i32 to index
        %get3A_79 = arith.constant 32 : index
        %get3A_80 = tpu.vector_load %arg14[%get3A_78, %get3A_79] {strides = array<i32>} : memref<128x128xf32, #tpu.memory_space<vmem>>, vector<16xf32>,
        %get3A_81 = arith.index_cast %scan3A_51 : i32 to index
        %get3A_82 = arith.constant 32 : index
        %get3A_83 = tpu.vector_load %arg15[%get3A_81, %get3A_82] {strides = array<i32>} : memref<128x128xf32, #tpu.memory_space<vmem>>, vector<16xf32>,
        %add3A_84 = arith.addf %get3A_80, %get3A_83 : vector<16xf32>
        %get3A_85 = arith.index_cast %scan3A_51 : i32 to index
        %get3A_86 = arith.constant 32 : index
        %get3A_87 = tpu.vector_load %arg16[%get3A_85, %get3A_86] {strides = array<i32>} : memref<128x128xf32, #tpu.memory_space<vmem>>, vector<16xf32>,
        %sub3A_88 = arith.subf %add3A_84, %get3A_87 : vector<16xf32>
        %abs3A_89 = math.absf %sub3A_88 : vector<16xf32>
        %add3A_90 = arith.addf %add3A_77, %abs3A_89 : vector<16xf32>
        %get3A_91 = arith.index_cast %scan3A_51 : i32 to index
        %get3A_92 = arith.constant 48 : index
        %get3A_93 = tpu.vector_load %arg14[%get3A_91, %get3A_92] {strides = array<i32>} : memref<128x128xf32, #tpu.memory_space<vmem>>, vector<16xf32>,
        %get3A_94 = arith.index_cast %scan3A_51 : i32 to index
        %get3A_95 = arith.constant 48 : index
        %get3A_96 = tpu.vector_load %arg15[%get3A_94, %get3A_95] {strides = array<i32>} : memref<128x128xf32, #tpu.memory_space<vmem>>, vector<16xf32>,
        %add3A_97 = arith.addf %get3A_93, %get3A_96 : vector<16xf32>
        %get3A_98 = arith.index_cast %scan3A_51 : i32 to index
        %get3A_99 = arith.constant 48 : index
        %get3A_100 = tpu.vector_load %arg16[%get3A_98, %get3A_99] {strides = array<i32>} : memref<128x128xf32, #tpu.memory_space<vmem>>, vector<16xf32>,
        %sub3A_101 = arith.subf %add3A_97, %get3A_100 : vector<16xf32>
        %abs3A_102 = math.absf %sub3A_101 : vector<16xf32>
        %add3A_103 = arith.addf %add3A_90, %abs3A_102 : vector<16xf32>
        %get3A_104 = arith.index_cast %scan3A_51 : i32 to index
        %get3A_105 = arith.constant 64 : index
        %get3A_106 = tpu.vector_load %arg14[%get3A_104, %get3A_105] {strides = array<i32>} : memref<128x128xf32, #tpu.memory_space<vmem>>, vector<16xf32>,
        %get3A_107 = arith.index_cast %scan3A_51 : i32 to index
        %get3A_108 = arith.constant 64 : index
        %get3A_109 = tpu.vector_load %arg15[%get3A_107, %get3A_108] {strides = array<i32>} : memref<128x128xf32, #tpu.memory_space<vmem>>, vector<16xf32>,
        %add3A_110 = arith.addf %get3A_106, %get3A_109 : vector<16xf32>
        %get3A_111 = arith.index_cast %scan3A_51 : i32 to index
        %get3A_112 = arith.constant 64 : index
        %get3A_113 = tpu.vector_load %arg16[%get3A_111, %get3A_112] {strides = array<i32>} : memref<128x128xf32, #tpu.memory_space<vmem>>, vector<16xf32>,
        %sub3A_114 = arith.subf %add3A_110, %get3A_113 : vector<16xf32>
        %abs3A_115 = math.absf %sub3A_114 : vector<16xf32>
        %add3A_116 = arith.addf %add3A_103, %abs3A_115 : vector<16xf32>
        %get3A_117 = arith.index_cast %scan3A_51 : i32 to index
        %get3A_118 = arith.constant 80 : index
        %get3A_119 = tpu.vector_load %arg14[%get3A_117, %get3A_118] {strides = array<i32>} : memref<128x128xf32, #tpu.memory_space<vmem>>, vector<16xf32>,
        %get3A_120 = arith.index_cast %scan3A_51 : i32 to index
        %get3A_121 = arith.constant 80 : index
        %get3A_122 = tpu.vector_load %arg15[%get3A_120, %get3A_121] {strides = array<i32>} : memref<128x128xf32, #tpu.memory_space<vmem>>, vector<16xf32>,
        %add3A_123 = arith.addf %get3A_119, %get3A_122 : vector<16xf32>
        %get3A_124 = arith.index_cast %scan3A_51 : i32 to index
        %get3A_125 = arith.constant 80 : index
        %get3A_126 = tpu.vector_load %arg16[%get3A_124, %get3A_125] {strides = array<i32>} : memref<128x128xf32, #tpu.memory_space<vmem>>, vector<16xf32>,
        %sub3A_127 = arith.subf %add3A_123, %get3A_126 : vector<16xf32>
        %abs3A_128 = math.absf %sub3A_127 : vector<16xf32>
        %add3A_129 = arith.addf %add3A_116, %abs3A_128 : vector<16xf32>
        %get3A_130 = arith.index_cast %scan3A_51 : i32 to index
        %get3A_131 = arith.constant 96 : index
        %get3A_132 = tpu.vector_load %arg14[%get3A_130, %get3A_131] {strides = array<i32>} : memref<128x128xf32, #tpu.memory_space<vmem>>, vector<16xf32>,
        %get3A_133 = arith.index_cast %scan3A_51 : i32 to index
        %get3A_134 = arith.constant 96 : index
        %get3A_135 = tpu.vector_load %arg15[%get3A_133, %get3A_134] {strides = array<i32>} : memref<128x128xf32, #tpu.memory_space<vmem>>, vector<16xf32>,
        %add3A_136 = arith.addf %get3A_132, %get3A_135 : vector<16xf32>
        %get3A_137 = arith.index_cast %scan3A_51 : i32 to index
        %get3A_138 = arith.constant 96 : index
        %get3A_139 = tpu.vector_load %arg16[%get3A_137, %get3A_138] {strides = array<i32>} : memref<128x128xf32, #tpu.memory_space<vmem>>, vector<16xf32>,
        %sub3A_140 = arith.subf %add3A_136, %get3A_139 : vector<16xf32>
        %abs3A_141 = math.absf %sub3A_140 : vector<16xf32>
        %add3A_142 = arith.addf %add3A_129, %abs3A_141 : vector<16xf32>
        %get3A_143 = arith.index_cast %scan3A_51 : i32 to index
        %get3A_144 = arith.constant 112 : index
        %get3A_145 = tpu.vector_load %arg14[%get3A_143, %get3A_144] {strides = array<i32>} : memref<128x128xf32, #tpu.memory_space<vmem>>, vector<16xf32>,
        %get3A_146 = arith.index_cast %scan3A_51 : i32 to index
        %get3A_147 = arith.constant 112 : index
        %get3A_148 = tpu.vector_load %arg15[%get3A_146, %get3A_147] {strides = array<i32>} : memref<128x128xf32, #tpu.memory_space<vmem>>, vector<16xf32>,
        %add3A_149 = arith.addf %get3A_145, %get3A_148 : vector<16xf32>
        %get3A_150 = arith.index_cast %scan3A_51 : i32 to index
        %get3A_151 = arith.constant 112 : index
        %get3A_152 = tpu.vector_load %arg16[%get3A_150, %get3A_151] {strides = array<i32>} : memref<128x128xf32, #tpu.memory_space<vmem>>, vector<16xf32>,
        %sub3A_153 = arith.subf %add3A_149, %get3A_152 : vector<16xf32>
        %abs3A_154 = math.absf %sub3A_153 : vector<16xf32>
        %add3A_155 = arith.addf %add3A_142, %abs3A_154 : vector<16xf32>
        %mul3A_156 = arith.constant 128 : i32
        %mul3A_157 = arith.muli %scan3A_24, %mul3A_156 : i32
        %add3A_158 = arith.addi %mul3A_157, %scan3A_51 : i32
        %mul3A_159 = arith.constant 16 : i32
        %mul3A_160 = arith.muli %add3A_158, %mul3A_159 : i32
        %get3A_161 = arith.index_cast %mul3A_160 : i32 to index
        %get3A_162 = tpu.vector_load %arg17[%get3A_161] {strides = array<i32>} : memref<8192xf32, #tpu.memory_space<vmem>>, vector<16xf32>,
        %sub3A_163 = arith.subf %add3A_155, %get3A_162 : vector<16xf32>
        %reduce_sum3A = arith.constant true
        %reduce_sum3A_164 = vector.broadcast %reduce_sum3A : i1 to vector<16xi1>
        %reduce_sum3A_165 = tpu.scan <sum>, %sub3A_163 masked %reduce_sum3A_164 : vector<16xf32>, vector<16xi1> -> vector<16xf32>
        %reduce_sum3A_166 = vector.extract %reduce_sum3A_165[15] : f32 from vector<16xf32>
        %mul3A_167 = arith.constant 7.812500e-03 : f32
        %mul3A_168 = arith.mulf %reduce_sum3A_166, %mul3A_167 : f32
        %add3A_169 = arith.constant 1.000000e+00 : f32
        %add3A_170 = arith.addf %mul3A_168, %add3A_169 : f32
        %max3A = arith.constant 0.000000e+00 : f32
        %max3A_171 = arith.maximumf %add3A_170, %max3A : f32
        %add3A_172 = arith.addf %scan3A_52, %max3A_171 : f32
        scf.yield %add3A_172 : f32
      }
      %scan3A_50 = arith.constant 128 : i32
      scf.yield %scan3A_49 : f32
    }
    %scan3A_14 = arith.constant 4 : i32
    %eq3A = arith.constant 0 : i32
    %eq3A_15 = arith.cmpi eq, %arg1, %eq3A : i32
    %convert_element_type3A = arith.extui %eq3A_15 : i1 to i32
    %cond3A = arith.constant 0 : i32
    %cond3A_16 = arith.cmpi ne, %convert_element_type3A, %cond3A : i32
    scf.if %cond3A_16 {
      %broadcast_in_dim3A_24 = arith.constant 0.000000e+00 : f32
      %broadcast_in_dim3A_25 = vector.broadcast %broadcast_in_dim3A_24 : f32 to vector<16xf32>
      %swap3A_26 = arith.constant 0 : index
      %swap3A_27 = tpu.vector_load %arg19[%swap3A_26] {strides = array<i32>} : memref<16xf32, #tpu.memory_space<vmem>>, vector<16xf32>,
      tpu.vector_store %arg19[%swap3A_26], %broadcast_in_dim3A_25 {strides = array<i32>} : memref<16xf32, #tpu.memory_space<vmem>>, vector<16xf32>,
      "tpu.region"() ({
        %run_scoped3A = tpu.sem_alloc : memref<!tpu.dma_semaphore, #tpu.memory_space<semaphore_mem>>
        tpu.enqueue_dma source(%arg19 : memref<16xf32, #tpu.memory_space<vmem>>) target(%arg18 : memref<16xf32, #tpu.memory_space<vmem_shared>>) target_semaphore(%run_scoped3A : memref<!tpu.dma_semaphore, #tpu.memory_space<semaphore_mem>>)
        tpu.wait_dma2 semaphore(%run_scoped3A : memref<!tpu.dma_semaphore, #tpu.memory_space<semaphore_mem>>) src(%arg19 : memref<16xf32, #tpu.memory_space<vmem>>) dst(%arg18 : memref<16xf32, #tpu.memory_space<vmem_shared>>)
        tpu.yield
      }) : () -> ()
    } else {
    }
    %barrier3A = arith.constant 0 : index
    tpu.barrier barrier_id(%barrier3A)
    %broadcast_in_dim3A = vector.broadcast %scan3A_13 : f32 to vector<16xf32>
    %swap3A = arith.constant 0 : index
    %swap3A_17 = tpu.vector_load %arg19[%swap3A] {strides = array<i32>} : memref<16xf32, #tpu.memory_space<vmem>>, vector<16xf32>,
    tpu.vector_store %arg19[%swap3A], %broadcast_in_dim3A {strides = array<i32>} : memref<16xf32, #tpu.memory_space<vmem>>, vector<16xf32>,
    %iota3A = tpu.iota {dimensions = array<i32: 0>} : vector<16xi32>
    "tpu.region"() ({
      %run_scoped3A = tpu.sem_alloc : memref<!tpu.dma_semaphore, #tpu.memory_space<semaphore_mem>>
      %dma_start3A = arith.constant 0 : i32
      %dma_start3A_24 = tpu.memref_slice %arg18[%dma_start3A] : memref<16xf32, #tpu.memory_space<vmem_shared>> -> memref<16xf32, #tpu.memory_space<vmem_shared>>
      tpu.enqueue_indirect_dma source(%arg19 : memref<16xf32, #tpu.memory_space<vmem>>) target(%dma_start3A_24 : memref<16xf32, #tpu.memory_space<vmem_shared>>) offsets(%iota3A : vector<16xi32>) semaphore(%run_scoped3A : memref<!tpu.dma_semaphore, #tpu.memory_space<semaphore_mem>>) {add = true}
      %dma_wait3A = arith.constant 0 : i32
      %dma_wait3A_25 = tpu.memref_slice %arg18[%dma_wait3A] : memref<16xf32, #tpu.memory_space<vmem_shared>> -> memref<16xf32, #tpu.memory_space<vmem_shared>>
      tpu.wait_indirect_dma semaphore(%run_scoped3A : memref<!tpu.dma_semaphore, #tpu.memory_space<semaphore_mem>>) src(%arg19 : memref<16xf32, #tpu.memory_space<vmem>>) dst(%dma_wait3A_25 : memref<16xf32, #tpu.memory_space<vmem_shared>>)
      tpu.yield
    }) : () -> ()
    %barrier3A_18 = arith.constant 0 : index
    tpu.barrier barrier_id(%barrier3A_18)
    %eq3A_19 = arith.constant 0 : i32
    %eq3A_20 = arith.cmpi eq, %arg1, %eq3A_19 : i32
    %convert_element_type3A_21 = arith.extui %eq3A_20 : i1 to i32
    %cond3A_22 = arith.constant 0 : i32
    %cond3A_23 = arith.cmpi ne, %convert_element_type3A_21, %cond3A_22 : i32
    scf.if %cond3A_23 {
      "tpu.region"() ({
        %run_scoped3A = tpu.sem_alloc : memref<!tpu.dma_semaphore, #tpu.memory_space<semaphore_mem>>
        tpu.enqueue_dma source(%arg18 : memref<16xf32, #tpu.memory_space<vmem_shared>>) target(%arg19 : memref<16xf32, #tpu.memory_space<vmem>>) target_semaphore(%run_scoped3A : memref<!tpu.dma_semaphore, #tpu.memory_space<semaphore_mem>>)
        tpu.wait_dma2 semaphore(%run_scoped3A : memref<!tpu.dma_semaphore, #tpu.memory_space<semaphore_mem>>) src(%arg18 : memref<16xf32, #tpu.memory_space<vmem_shared>>) dst(%arg19 : memref<16xf32, #tpu.memory_space<vmem>>)
        tpu.yield
      }) : () -> ()
      "tpu.region"() ({
        %run_scoped3A = tpu.sem_alloc : memref<!tpu.dma_semaphore, #tpu.memory_space<semaphore_mem>>
        %dma_start3A = arith.constant 0 : i32
        %dma_start3A_24 = tpu.memref_slice %arg10[%arg0, %dma_start3A] : memref<2x16xf32, #tpu.memory_space<hbm>> -> memref<1x16xf32, #tpu.memory_space<hbm>>
        %dma_start3A_25 = tpu.memref_squeeze %dma_start3A_24 : memref<1x16xf32, #tpu.memory_space<hbm>> -> memref<16xf32, #tpu.memory_space<hbm>>
        %dma_start3A_26 = arith.constant 0 : i32
        %dma_start3A_27 = tpu.memref_slice %arg10[%arg0, %dma_start3A_26] : memref<2x16xf32, #tpu.memory_space<hbm>> -> memref<1x16xf32, #tpu.memory_space<hbm>>
        %dma_start3A_28 = tpu.memref_squeeze %dma_start3A_27 : memref<1x16xf32, #tpu.memory_space<hbm>> -> memref<16xf32, #tpu.memory_space<hbm>>
        tpu.enqueue_dma source(%arg19 : memref<16xf32, #tpu.memory_space<vmem>>) target(%dma_start3A_28 : memref<16xf32, #tpu.memory_space<hbm>>) target_semaphore(%run_scoped3A : memref<!tpu.dma_semaphore, #tpu.memory_space<semaphore_mem>>)
        %dma_wait3A = arith.constant 0 : i32
        %dma_wait3A_29 = tpu.memref_slice %arg10[%arg0, %dma_wait3A] : memref<2x16xf32, #tpu.memory_space<hbm>> -> memref<1x16xf32, #tpu.memory_space<hbm>>
        %dma_wait3A_30 = tpu.memref_squeeze %dma_wait3A_29 : memref<1x16xf32, #tpu.memory_space<hbm>> -> memref<16xf32, #tpu.memory_space<hbm>>
        %dma_wait3A_31 = arith.constant 0 : i32
        %dma_wait3A_32 = tpu.memref_slice %arg10[%arg0, %dma_wait3A_31] : memref<2x16xf32, #tpu.memory_space<hbm>> -> memref<1x16xf32, #tpu.memory_space<hbm>>
        %dma_wait3A_33 = tpu.memref_squeeze %dma_wait3A_32 : memref<1x16xf32, #tpu.memory_space<hbm>> -> memref<16xf32, #tpu.memory_space<hbm>>
        tpu.wait_dma2 semaphore(%run_scoped3A : memref<!tpu.dma_semaphore, #tpu.memory_space<semaphore_mem>>) src(%arg19 : memref<16xf32, #tpu.memory_space<vmem>>) dst(%dma_wait3A_33 : memref<16xf32, #tpu.memory_space<hbm>>)
        tpu.yield
      }) : () -> ()
    } else {
    }
    return
  }
}

</mosaic_0001>

<sc_bundles>
// kernel: kernel.3.cloned.1.call-start
scs
__scs_entry_jumppad:
0x0: {  	(pc) =	sbr.rel $0x88, $3  }
0x1: {  	(tag) =	ssettag $0x0;
	lr =	simm.s32 $0x1  }
0x2: {  	[smem:$0x3F9D] =	sst lr;
	_ =	strace $0xD0000000  }
0x3: {  	_ = 	snop  }
0x4: {  	_ = 	snop  }
0x5: {  	_ = 	snop  }
0x6: {  	_ = 	snop  }
0x7: {  	_ = 	snop  }
__scs_overlays_trampoline_lowered:
0x8: {  	[smem:$0x3FAC] =	sst s0  }
0x9: {  	[smem:$0x3FAD] =	sst s1  }
0xa: {  	[smem:$0x3FAE] =	sst s2  }
0xb: {  	[smem:$0x3FAF] =	sst s3  }
0xc: {  	[smem:$0x3FB0] =	sst s4  }
0xd: {  	[smem:$0x3FB1] =	sst s5  }
0xe: {  	[smem:$0x3FB2] =	sst s6  }
0xf: {  	[smem:$0x3FB3] =	sst s7  }
0x10: {  	[smem:$0x3FB4] =	sst s8  }
0x11: {  	[smem:$0x3FB5] =	sst s9;
	s0 =	simm.s32 @!p0 $0x0  }
0x12: {  	s1 =	sld [smem:$0x3F9B];
	s0 =	simm.s32 @p0 $0x1  }
0x13: {  	[smem:$0x3FB6] =	sst s0;
	s0 =	simm.s32 @!p1 $0x0  }
0x14: {  	s2 =	sld [smem:$0x3F9A];
	s0 =	simm.s32 @p1 $0x1  }
0x15: {  	[smem:$0x3FB7] =	sst s0;
	s0 =	simm.s32 @!p2 $0x0  }
0x16: {  	s3 =	sld [smem:$0x3FDB];
	s0 =	simm.s32 @p2 $0x1  }
0x17: {  	s4 =	simm.s32 $0x1BF5;
	[smem:$0x3FB9] =	sst s0  }
0x18: {  	s0 =	sld [smem:$0x3F9C];
	_ =	swait.ge [sflag:s4], $0x0  }
0x19: {  	s7 =	sld [smem:$0x3F9D]  }
0x1a: {  	s8 =	sadd.s32 $0xFFFFE003, lr  }
0x1b: {  	s9 =	sadd.s32 $0xFFFFFEF7, lr;
	s5 =	simm.s32 $0xFFFFFFFF;
	p2 =	slt.u32 s8, $0xFFFFF086  }
0x1c: {  	p1 =	slt.u32 s9, $0xF7A;
	s5 =	simm.s32 @!p2 $0x0  }
0x1d: {  	s5 =	simm.s32 @p1 $0x1;
	p0 =	seq.s32 s7, s2  }
0x1e: {  	s7 =	smul.u32 @!p0 $0xF7A, s2;
	p2 =	seq.s32 @!p0 s5, $0x0  }
0x1f: {  	s9 =	smul.u32 $0xF7A, s1;
	s8 =	simm.s32 @!p0 $0x1BF5;
	p2 =	por !p2, p0  }
0x20: {  	[sflag:s8] =	ssyncset.s32 @!p0 $0xFFFFF086;
	s6 =	sadd.s32 @!p0 s3, s7;
	s7 =	simm.s32 @!p0 $0x108  }
0x21: {  	s3 =	sadd.s32 s3, s9;
	s6 =	sadd.s32 @!p0 $0x88, s6;
	s7 =	simm.s32 @p2 $0x1082  }
0x22: {  	[simem:s7], [sflag:s8] =	dma.local @!p0 [hbm:s6], $0xF7A  }
0x23: {  	s9 =	sor.u32 $0xD0000000, s2;
	s6 =	simm.s32 $0x108;
	_ =	swait.ge @!p0 [sflag:s8], $0x0  }
0x24: {  	s3 =	sadd.s32 $0x88, s3;
	s6 =	simm.s32 @!p1 $0x1082;
	[sflag:s4] =	ssyncset.s32 $0xFFFFF086  }
0x25: {  	[simem:s6], [sflag:s4] =	dma.local [hbm:s3], $0xF7A  }
0x26: {  	[smem:$0x3F9D] =	sst s1;
	(tag) =	ssettag s2;
	_ =	strace s9  }
0x27: {  	s1 =	sld [smem:$0x3FAD]  }
0x28: {  	s2 =	sld [smem:$0x3FAE]  }
0x29: {  	s4 =	sld [smem:$0x3FB0]  }
0x2a: {  	p0 =	seq.s32 s5, $0x0;
	s5 =	sld [smem:$0x3FB1]  }
0x2b: {  	s6 =	sld [smem:$0x3FB2]  }
0x2c: {  	s7 =	sld [smem:$0x3FB3]  }
0x2d: {  	s3 =	simm.s32 $0x108;
	s8 =	sld [smem:$0x3FB4]  }
0x2e: {  	s3 =	simm.s32 @!p0 $0x1082;
	s9 =	sld [smem:$0x3FB5]  }
0x2f: {  	lr =	sadd.s32 s0, s3;
	s0 =	sld [smem:$0x3FAC]  }
0x30: {  	s3 =	sld [smem:$0x3FAF]  }
0x31: {  	[smem:$0x3FB8] =	sst s10  }
0x32: {  	s10 =	sld [smem:$0x3FB6];
	_ =	sdelay $0x3  }
0x33: {  	p0 =	seq.s32 s10, $0x1;
	s10 =	sld [smem:$0x3FB8];
	_ =	sdelay $0x3  }
0x34: {  	[smem:$0x3FB8] =	sst s10  }
0x35: {  	s10 =	sld [smem:$0x3FB7];
	_ =	sdelay $0x3  }
0x36: {  	p1 =	seq.s32 s10, $0x1;
	s10 =	sld [smem:$0x3FB8];
	_ =	sdelay $0x3  }
0x37: {  	[smem:$0x3FB8] =	sst s10  }
0x38: {  	s10 =	sld [smem:$0x3FB9]  }
0x39: {  	_ = 	snop;
	(pc) =	sbr.ind lr, $3  }
0x3a: {  	_ = 	snop  }
0x3b: {  	_ = 	snop  }
0x3c: {  	p2 =	seq.s32 s10, $0x1;
	s10 =	sld [smem:$0x3FB8]  }
0x3d: {  	_ =	shalt  }
0x3e: {  	_ =	shalt  }
0x3f: {  	_ =	shalt  }
0x40: {  	_ =	shalt  }
0x41: {  	_ =	shalt  }
0x42: {  	_ =	shalt  }
0x43: {  	_ =	shalt  }
0x44: {  	_ =	shalt  }
0x45: {  	_ =	shalt  }
0x46: {  	_ =	shalt  }
0x47: {  	_ =	shalt  }
0x48: {  	_ =	shalt  }
0x49: {  	_ =	shalt  }
0x4a: {  	_ =	shalt  }
0x4b: {  	_ =	shalt  }
0x4c: {  	_ =	shalt  }
0x4d: {  	_ =	shalt  }
0x4e: {  	_ =	shalt  }
0x4f: {  	_ =	shalt  }
0x50: {  	_ =	shalt  }
0x51: {  	_ =	shalt  }
0x52: {  	_ =	shalt  }
0x53: {  	_ =	shalt  }
0x54: {  	_ =	shalt  }
0x55: {  	_ =	shalt  }
0x56: {  	_ =	shalt  }
0x57: {  	_ =	shalt  }
0x58: {  	_ =	shalt  }
0x59: {  	_ =	shalt  }
0x5a: {  	_ =	shalt  }
0x5b: {  	_ =	shalt  }
0x5c: {  	_ =	shalt  }
0x5d: {  	_ =	shalt  }
0x5e: {  	_ =	shalt  }
0x5f: {  	_ =	shalt  }
0x60: {  	_ =	shalt  }
0x61: {  	_ =	shalt  }
0x62: {  	_ =	shalt  }
0x63: {  	_ =	shalt  }
0x64: {  	_ =	shalt  }
0x65: {  	_ =	shalt  }
0x66: {  	_ =	shalt  }
0x67: {  	_ =	shalt  }
0x68: {  	_ =	shalt  }
0x69: {  	_ =	shalt  }
0x6a: {  	_ =	shalt  }
0x6b: {  	_ =	shalt  }
0x6c: {  	_ =	shalt  }
0x6d: {  	_ =	shalt  }
0x6e: {  	_ =	shalt  }
0x6f: {  	_ =	shalt  }
0x70: {  	_ =	shalt  }
0x71: {  	_ =	shalt  }
0x72: {  	_ =	shalt  }
0x73: {  	_ =	shalt  }
0x74: {  	_ =	shalt  }
0x75: {  	_ =	shalt  }
0x76: {  	_ =	shalt  }
0x77: {  	_ =	shalt  }
0x78: {  	_ =	shalt  }
0x79: {  	_ =	shalt  }
0x7a: {  	_ =	shalt  }
0x7b: {  	_ =	shalt  }
0x7c: {  	_ =	shalt  }
0x7d: {  	_ =	shalt  }
0x7e: {  	_ =	shalt  }
0x7f: {  	_ =	shalt  }
0x80: {  	_ =	shalt  }
0x81: {  	_ =	shalt  }
0x82: {  	_ =	shalt  }
0x83: {  	_ =	shalt  }
0x84: {  	_ =	shalt  }
0x85: {  	_ =	shalt  }
0x86: {  	_ =	shalt  }
0x87: {  	_ =	shalt  }
.Lfunc_end0:
.L_simem_size_0:
called_computation_lowered:
.L_overlay_start_0:
0x88: {  	s2 =	sld [smem:$0x3FD9]  }
0x89: {  	s3 =	sld [smem:$0x3FFE];
	_ =	sdelay $0x1  }
0x8a: {  	s1 =	srdreg.scid  }
0x8b: {  	s0 =	sand.u32 $0x1, s1  }
0x8c: {  	s17 =	sshll.u32 s0, $0xA;
	s2 =	sadd.s32 s3, s2  }
0x8d: {  	s2 =	sadd.s32 s2, s17  }
0x8e: {  	[smem:$0x3FC4] =	sst s2  }
0x8f: {  	_ = 	snop  }
0x90: {  	s2 =	sld [smem:$0x3FC7]  }
0x91: {  	s18 =	sld [smem:$0x3FC6];
	(tm) =	ssettm $0x1  }
0x92: {  	s4 =	sld [smem:$0x3FFB];
	_ =	sdelay $0x3  }
0x93: {  	_ =	strace s4  }
0x94: {  	s4 =	sld [smem:$0x3FFC];
	_ =	sdelay $0x3  }
0x95: {  	_ =	strace s4  }
0x96: {  	s4 =	sld [smem:$0x3FFD];
	_ =	sdelay $0x3  }
0x97: {  	_ =	strace s4  }
0x98: {  	_ =	strace $0x8FFFFFFF  }
0x99: {  	s19 =	sld [smem:$0x3FDB];
	_ =	sdelay $0x1  }
0x9a: {  	s5 =	simm.s32 $_scs_section_size  }
0x9b: {  	s6 =	simm.s32 $_size__tile_overlayer_lowered;
	s7 =	simm.s32 $_tile_overlayer_lowered  }
0x9c: {  	s22 =	simm.s32 $0x1BFF;
	s21 =	sshll.u32 s7, $0x1;
	s4 =	sadd.s32 s5, s19  }
0x9d: {  	s8 =	simm.s32 $0x0;
	s20 =	sshll.u32 s6, $0x1;
	s6 =	sadd.s32 s21, s4  }
0x9e: {  	[timem:s8], [sflag:s22] =	dma.local [hbm:s6], s20  }
0x9f: {  	_ =	swait.ge [sflag:s22], s20  }
0xa0: {  	s5 =	ssub.s32 $0x0, s20;
	[sflag:s22] =	ssyncset.done $0x0  }
0xa1: {  	[sflag:s22] =	ssyncadd.s32 s5;
	_ =	sdelay $0x1  }
0xa2: {  	s23 =	simm.s32 $0x1B8B  }
0xa3: {  	_ =	swait.ge [sflag:s23], $0x1  }
0xa4: {  	[sflag:s23] =	ssyncset.done $0x0  }
0xa5: {  	s25 =	simm.s32 $0x1B8E;
	s24 =	sld [smem:$0x3FFE];
	[sflag:s23] =	ssyncadd.s32 $0xFFFFFFFF  }
0xa6: {  	s26 =	simm.s32 $execute0_lowered;
	[smem:$0x3FD2] =	sst s25  }
0xa7: {  	s6 =	sshll.u32 s26, $0x1;
	_ =	strace $0x80000046;
	[dreg:$0x1] =	wrdreg $0xFFFFFFFF  }
0xa8: {  	s28 =	simm.s32 $_size_execute0_lowered;
	s4 =	sadd.s32 s4, s6;
	[dreg:$0x0] =	wrdreg $0x0  }
0xa9: {  	s6 =	sshll.u32 s28, $0x1;
	[dreg:$0x2] =	wrdreg s4  }
0xaa: {  	[dreg:$0x3] =	wrdreg s6  }
0xab: {  	[dreg:$0x4] =	wrdreg $0xC0  }
0xac: {  	_ =	task [dreg:s8], $0x5FFFF  }
0xad: {  	[dreg:$0x1] =	wrdreg $0xFFFFFFFF  }
0xae: {  	[dreg:$0x0] =	wrdreg $0x60  }
0xaf: {  	[dreg:$0x2] =	wrdreg s24  }
0xb0: {  	[dreg:$0x3] =	wrdreg s2  }
0xb1: {  	[dreg:$0x4] =	wrdreg s18  }
0xb2: {  	[dreg:$0x5] =	wrdreg $0xE1800  }
0xb3: {  	[dreg:$0x6] =	wrdreg $0x9  }
0xb4: {  	_ =	task.clear_ibuf [dreg:s8], $0x7FFFF;
	_ =	strace $0x90000046  }
0xb5: {  	s29 =	simm.s32 $0x9;
	_ =	strace $0x80000048  }
0xb6: {  	_ =	swait.ge [sflag:s29], $0x1  }
0xb7: {  	[sflag:s29] =	ssyncadd.s32 $0xFFFFFFFF  }
0xb8: {  	_ =	strace $0x90000048  }
0xb9: {  	_ =	sfence  }
0xba: {  	s30 =	sld [smem:$0x0];
	_ =	sdelay $0x2  }
0xbb: {  	s31 =	sshll.u32 s1, $0xD;
	s1 =	sshrl.u32 s1, $0x2  }
0xbc: {  	s3 =	sand.u32 $0x4000, s31;
	s1 =	sadd.s32 s1, s30  }
0xbd: {  	s0 =	sor.u32 s3, s0;
	s1 =	sshll.u32 s1, $0x11  }
0xbe: {  	s0 =	sor.u32 s1, s0  }
0xbf: {  	s0 =	sadd.s32 $0x8F2B, s0  }
0xc0: {  	[sflag:s0] =	ssyncadd.remote.s32 $0x1  }
0xc1: {  	_ =	sfence.sel $0xFFFF  }
0xc2: {  	[dreg:$0x0] =	wrdreg $0xFFFFFFFF;
	(pc) =	sbr.abs _section_cstart, $3  }
0xc3: {  	[dreg:$0x1] =	wrdreg $0xFFFFFFFF  }
0xc4: {  	_ =	task.clear_ibuf [dreg:s8], $0x2FFFF;
	_ =	strace $0x9FFFFFFF  }
0xc5: {  	(tm) =	ssettm $0x7FFFFFFF  }
tec
execute0_lowered:
.L_overlay_start_1:
0x0: {  	(tag) =	ssettag $0x1  }
0x1: {  	s11 =	rddreg [dreg:$0x0]  }
0x2: {  	s1 =	rddreg [dreg:$0x1]  }
0x3: {  	s2 =	rddreg [dreg:$0x2]  }
0x4: {  	s3 =	rddreg [dreg:$0x3]  }
0x5: {  	s0 =	rddreg [dreg:$0x4];
	s4 =	simm.s32 $0x0;
	s12 =	srdreg.scid  }
0x6: {  	s20 =	stileid.u32;
	s17 =	simm.s32 $0x180;
	s18 =	simm.s32 $0x4180  }
0x7: {  	s19 =	simm.s32 $0x8180;
	s21 =	simm.s32 $0x2;
	s22 =	simm.s32 $0x3  }
0x8: {  	[smem:$0x7FF] =	sst s4;
	s5 =	sadd.s32 $0x19C00, s11;
	s6 =	sadd.s32 $0x19400, s11  }
0x9: {  	s7 =	sadd.s32 $0x18C00, s11;
	s8 =	sadd.s32 $0x10C00, s11;
	s9 =	sadd.s32 $0x8C00, s11  }
0xa: {  	s10 =	sadd.s32 $0xC00, s11;
	s12 =	sand.u32 $0x1, s12;
	s16 =	sshll.u32 s20, $0xA  }
0xb: {  	p0 =	sne.s32 s20, $0x0;
	s20 =	simm.s32 $0x1;
	_ =	strace $0x80000047  }
0xc: {  	s13 =	sshll.u32 s12, $0x4;
	s14 =	ssub.s32 $0x2, s12;
	s12 =	sshll.u32 s12, $0x9  }
0xd: {  	s15 =	sshrl.u32 s14, $0x1;
	s13 =	sadd.s32 s13, s11;
	s11 =	sor.u32 s12, s16  }
0xe: {  	s16 =	simm.s32 $0x100;
	s14 =	ssub.s32 s14, s15;
	s12 =	sadd.s32 $0x1A400, s13  }
0xf: {  	vm0 =	vmmov @p0 $0xffff;
	vm1 =	vmmov @!p0 $0xffff;
	s15 =	simm.s32 $0x80;
	s13 =	smax.u32 s14, $0x1;
	s14 =	simm.s32 $0x4  }
.LBB2_1:
0x10: {  	s23 =	simm.s32 $0x0  }
.LBB2_2:
0x11: {  	s24 =	sshll.u32 s23, $0x3  }
0x12: {  	s25 =	sor.u32 s11, s24  }
0x13: {  	s26 =	sshll.u32 s25, $0x1  }
0x14: {  	s25 =	simm.s32 $0x0;
	s28 =	sadd.s32 s8, s26  }
0x15: {  	[tilespmem:s25], [sflag:$0x4] =	stream.linear.gather [hbm4b:s28+s25], $0x80, $0x38;
	[tilespmem:$0xE208] =	vst v63  }
0x16: {  	_ =	swait.ge [sflag:s14], $0x80  }
0x17: {  	[sflag:s14] =	ssyncset.done $0x0  }
0x18: {  	s28 =	sadd.s32 s9, s26;
	[sflag:s14] =	ssyncadd.s32 $0xFFFFFF80  }
0x19: {  	[tilespmem:s15], [sflag:$0x4] =	stream.linear.gather [hbm4b:s28+s25], $0x80, $0x38;
	[tilespmem:$0xE208] =	vst v63  }
0x1a: {  	_ =	swait.ge [sflag:s14], $0x80  }
0x1b: {  	[sflag:s14] =	ssyncset.done $0x0  }
0x1c: {  	s26 =	sadd.s32 s10, s26;
	[sflag:s14] =	ssyncadd.s32 $0xFFFFFF80  }
0x1d: {  	[tilespmem:s16], [sflag:$0x4] =	stream.linear.gather [hbm4b:s26+s25], $0x80, $0x38;
	[tilespmem:$0xE208] =	vst v63  }
0x1e: {  	_ =	swait.ge [sflag:s14], $0x80  }
0x1f: {  	[sflag:s14] =	ssyncset.done $0x0  }
0x20: {  	[sflag:s14] =	ssyncadd.s32 $0xFFFFFF80  }
0x21: {  	[tilespmem:s17], [sflag:$0x1] =	stream.indirect.gather [hbm4b:s1+s15], $0x80, s25, s15, $0xb8;
	[tilespmem:$0xE208] =	vst v63  }
0x22: {  	_ = 	snop  }
0x23: {  	[tilespmem:s18], [sflag:$0x2] =	stream.indirect.gather [hbm4b:s2+s15], $0x80, s15, s15, $0xb8;
	[tilespmem:$0xE208] =	vst v63  }
0x24: {  	_ = 	snop  }
0x25: {  	[tilespmem:s19], [sflag:$0x3] =	stream.indirect.gather [hbm4b:s1+s15], $0x80, s16, s15, $0xb8;
	[tilespmem:$0xE208] =	vst v63  }
0x26: {  	_ =	swait.ge [sflag:s20], $0x4000  }
0x27: {  	[sflag:s20] =	ssyncset.done $0x0  }
0x28: {  	[sflag:s20] =	ssyncadd.s32 $0xFFFFC000  }
0x29: {  	_ =	swait.ge [sflag:s21], $0x4000  }
0x2a: {  	[sflag:s21] =	ssyncset.done $0x0  }
0x2b: {  	[sflag:s21] =	ssyncadd.s32 $0xFFFFC000  }
0x2c: {  	_ =	swait.ge [sflag:s22], $0x4000  }
0x2d: {  	s29 =	simm.s32 $0x81F0;
	[sflag:s22] =	ssyncset.done $0x0  }
0x2e: {  	s28 =	simm.s32 $0x41F0;
	s26 =	simm.s32 $0x1C0;
	[sflag:s22] =	ssyncadd.s32 $0xFFFFC000  }
.LBB2_3:
0x2f: {  	v0 =	vmov s29;
	_ =	sdelay $0x3  }
0x30: {  	s31 =	simm.s32 $0x0  }
0x31: {  	v8 =	vld.idx.msk [tilespmem:v0+s31+$0xFFFFFFF0 ss:$0x1], $0xffff  }
0x32: {  	v6 =	vld.idx.msk [tilespmem:v0+s31+$0xFFFFFFE0 ss:$0x1], $0xffff  }
0x33: {  	v2 =	vmov s26;
	v4 =	vld.idx.msk [tilespmem:v0+s31+$0xFFFFFFD0 ss:$0x1], $0xffff  }
0x34: {  	v1 =	vmov s28;
	v3 =	vld.idx.msk [tilespmem:v0+s31+$0xFFFFFFC0 ss:$0x1], $0xffff  }
0x35: {  	v5 =	vld.idx.msk [tilespmem:v0+s31+$0xFFFFFFB0 ss:$0x1], $0xffff  }
0x36: {  	v7 =	vld.idx.msk [tilespmem:v0+s31+$0xFFFFFFA0 ss:$0x1], $0xffff  }
0x37: {  	v9 =	vld.idx.msk [tilespmem:v0+s31+$0xFFFFFF90 ss:$0x1], $0xffff  }
0x38: {  	v10 =	vld.idx.msk [tilespmem:v2+s31+$0xFFFFFFC0 ss:$0x1], $0xffff  }
0x39: {  	v11 =	vld.idx.msk [tilespmem:v1+s31+$0xFFFFFF90 ss:$0x1], $0xffff  }
0x3a: {  	v12 =	vld.idx.msk [tilespmem:v2+s31+$0xFFFFFFD0 ss:$0x1], $0xffff  }
0x3b: {  	v13 =	vld.idx.msk [tilespmem:v1+s31+$0xFFFFFFA0 ss:$0x1], $0xffff  }
0x3c: {  	v14 =	vld.idx.msk [tilespmem:v2+s31+$0xFFFFFFE0 ss:$0x1], $0xffff  }
0x3d: {  	v15 =	vld.idx.msk [tilespmem:v1+s31+$0xFFFFFFB0 ss:$0x1], $0xffff  }
0x3e: {  	v16 =	vld.idx.msk [tilespmem:v2+s31+$0xFFFFFFF0 ss:$0x1], $0xffff  }
0x3f: {  	v17 =	vld.idx.msk [tilespmem:v2+s31+$0x0 ss:$0x1], $0xffff;
	v10 =	vadd.f32 v11, v10  }
0x40: {  	v11 =	vld.idx.msk [tilespmem:v1+s31+$0xFFFFFFC0 ss:$0x1], $0xffff  }
0x41: {  	v18 =	vld.idx.msk [tilespmem:v2+s31+$0x10 ss:$0x1], $0xffff;
	v9 =	vsub.f32 v10, v9;
	v10 =	vadd.f32 v13, v12  }
0x42: {  	v12 =	vld.idx.msk [tilespmem:v1+s31+$0xFFFFFFD0 ss:$0x1], $0xffff;
	v13 =	vimm.f32 $0.0e+00  }
0x43: {  	v63 =	vld.idx.msk [tilespmem:v0+s31+$0x0 ss:$0x1], $0xffff;
	v9 =	vand.u32 $0x7FFFFFFF, v9;
	v7 =	vsub.f32 v10, v7;
	v10 =	vadd.f32 v15, v14  }
0x44: {  	v14 =	vld.idx.msk [tilespmem:v1+s31+$0xFFFFFFE0 ss:$0x1], $0xffff;
	v9 =	vadd.f32 v9, v13  }
0x45: {  	v13 =	vld.idx.msk [tilespmem:v2+s31+$0x20 ss:$0x1], $0xffff;
	v7 =	vand.u32 $0x7FFFFFFF, v7;
	v5 =	vsub.f32 v10, v5;
	v10 =	vadd.f32 v11, v16  }
0x46: {  	v11 =	vld.idx.msk [tilespmem:v1+s31+$0xFFFFFFF0 ss:$0x1], $0xffff;
	v7 =	vadd.f32 v7, v9  }
0x47: {  	v15 =	vld.idx.msk [tilespmem:v1+s31+$0x0 ss:$0x1], $0xffff;
	v12 =	vadd.f32 v12, v17;
	v5 =	vand.u32 $0x7FFFFFFF, v5;
	v10 =	vsub.f32 v10, v3  }
0x48: {  	s30 =	simm.s32 $0x80;
	v9 =	vld.idx.msk [tilespmem:v2+s31+$0x30 ss:$0x1], $0xffff;
	v7 =	vadd.f32 v5, v7  }
0x49: {  	v3 =	vld.idx.msk [tilespmem:v0+s30+$0xFFFFFFF0 ss:$0x1], $0xffff;
	v12 =	vsub.f32 v12, v4;
	v14 =	vadd.f32 v14, v18;
	v10 =	vand.u32 $0x7FFFFFFF, v10  }
0x4a: {  	v5 =	vld.idx.msk [tilespmem:v0+s30+$0xFFFFFFE0 ss:$0x1], $0xffff;
	v7 =	vadd.f32 v10, v7  }
0x4b: {  	v4 =	vld.idx.msk [tilespmem:v0+s30+$0xFFFFFFD0 ss:$0x1], $0xffff;
	v10 =	vand.u32 $0x7FFFFFFF, v12;
	v12 =	vsub.f32 v14, v6;
	v11 =	vadd.f32 v11, v13  }
0x4c: {  	v6 =	vld.idx.msk [tilespmem:v0+s30+$0xFFFFFFC0 ss:$0x1], $0xffff;
	v10 =	vadd.f32 v10, v7  }
0x4d: {  	v13 =	vadd.f32 v15, v9;
	v9 =	vld.idx.msk [tilespmem:v0+s30+$0xFFFFFF90 ss:$0x1], $0xffff;
	v12 =	vand.u32 $0x7FFFFFFF, v12;
	v11 =	vsub.f32 v11, v8  }
0x4e: {  	v7 =	vld.idx.msk [tilespmem:v0+s30+$0xFFFFFFB0 ss:$0x1], $0xffff;
	v12 =	vadd.f32 v12, v10  }
0x4f: {  	v8 =	vld.idx.msk [tilespmem:v0+s30+$0xFFFFFFA0 ss:$0x1], $0xffff;
	v14 =	vand.u32 $0x7FFFFFFF, v11;
	v11 =	vsub.f32 v13, v63  }
0x50: {  	s31 =	simm.s32 $0x400;
	v10 =	vld.idx.msk [tilespmem:v2+s30+$0xFFFFFFC0 ss:$0x1], $0xffff;
	v12 =	vadd.f32 v14, v12  }
.LBB2_4:
0x51: {  	p1 =	sne.s32 s31, $0x1E00;
	v13 =	vld.idx.msk [tilespmem:v1+s30+$0xFFFFFF90 ss:$0x1], $0xffff;
	v11 =	vand.u32 $0x7FFFFFFF, v11  }
0x52: {  	v14 =	vld.idx.msk [tilespmem:v2+s30+$0xFFFFFFD0 ss:$0x1], $0xffff;
	v11 =	vadd.f32 v11, v12  }
0x53: {  	v12 =	vld.idx.msk [tilespmem:v1+s30+$0xFFFFFFA0 ss:$0x1], $0xffff  }
0x54: {  	v15 =	vld.idx.msk [tilespmem:v2+s30+$0xFFFFFFE0 ss:$0x1], $0xffff  }
0x55: {  	v16 =	vld.idx.msk [tilespmem:v1+s30+$0xFFFFFFB0 ss:$0x1], $0xffff  }
0x56: {  	v17 =	vld.idx.msk [tilespmem:v2+s30+$0xFFFFFFF0 ss:$0x1], $0xffff  }
0x57: {  	v10 =	vadd.f32 v13, v10;
	v13 =	vld.idx.msk [tilespmem:v1+s30+$0xFFFFFFC0 ss:$0x1], $0xffff  }
0x58: {  	v18 =	vld.idx.msk [tilespmem:v2+s30+$0x0 ss:$0x1], $0xffff  }
0x59: {  	v9 =	vsub.f32 v10, v9;
	v10 =	vadd.f32 v12, v14;
	v12 =	vld.idx.msk [tilespmem:v1+s30+$0xFFFFFFD0 ss:$0x1], $0xffff  }
0x5a: {  	v14 =	vld.idx.msk [tilespmem:v2+s30+$0x10 ss:$0x1], $0xffff  }
0x5b: {  	v9 =	vand.u32 $0x7FFFFFFF, v9;
	v8 =	vsub.f32 v10, v8;
	v10 =	vadd.f32 v16, v15;
	v15 =	vld.idx.msk [tilespmem:v1+s30+$0xFFFFFFE0 ss:$0x1], $0xffff  }
0x5c: {  	v9 =	vadd.f32 v9, v11;
	v11 =	vld.idx.msk [tilespmem:v2+s30+$0x20 ss:$0x1], $0xffff  }
0x5d: {  	v8 =	vand.u32 $0x7FFFFFFF, v8;
	v7 =	vsub.f32 v10, v7;
	v10 =	vadd.f32 v13, v17;
	v13 =	vld.idx.msk [tilespmem:v1+s30+$0xFFFFFFF0 ss:$0x1], $0xffff  }
0x5e: {  	v8 =	vadd.f32 v8, v9;
	v9 =	vld.idx.msk [tilespmem:v2+s30+$0x30 ss:$0x1], $0xffff  }
0x5f: {  	v7 =	vand.u32 $0x7FFFFFFF, v7;
	v6 =	vsub.f32 v10, v6;
	v10 =	vadd.f32 v12, v18;
	v12 =	vld.idx.msk [tilespmem:v1+s30+$0x0 ss:$0x1], $0xffff  }
0x60: {  	v7 =	vadd.f32 v7, v8;
	v16 =	vld.idx.msk [tilespmem:v0+s30+$0x0 ss:$0x1], $0xffff;
	s30 =	sshra.s32 s31, $0x2  }
0x61: {  	v6 =	vand.u32 $0x7FFFFFFF, v6;
	v8 =	vsub.f32 v10, v4;
	v10 =	vadd.f32 v15, v14;
	v17 =	vld.idx.msk [tilespmem:v0+s30+$0xFFFFFFF0 ss:$0x1], $0xffff  }
0x62: {  	v7 =	vadd.f32 v6, v7;
	v14 =	vld.idx.msk [tilespmem:v0+s30+$0xFFFFFFE0 ss:$0x1], $0xffff  }
0x63: {  	v8 =	vand.u32 $0x7FFFFFFF, v8;
	v5 =	vsub.f32 v10, v5;
	v10 =	vadd.f32 v13, v11;
	v4 =	vld.idx.msk [tilespmem:v0+s30+$0xFFFFFFD0 ss:$0x1], $0xffff  }
.Ltmp0:
0x64: {  	v11 =	vadd.f32 v8, v7;
	v6 =	vld.idx.msk [tilespmem:v0+s30+$0xFFFFFFC0 ss:$0x1], $0xffff;
	(pc) =	sbr.rel @p1 .LBB2_4-.Ltmp0, $4  }
0x65: {  	v5 =	vand.u32 $0x7FFFFFFF, v5;
	v13 =	vsub.f32 v10, v3;
	v10 =	vadd.f32 v12, v9;
	v7 =	vld.idx.msk [tilespmem:v0+s30+$0xFFFFFFB0 ss:$0x1], $0xffff  }
0x66: {  	v15 =	vadd.f32 v5, v11;
	v8 =	vld.idx.msk [tilespmem:v0+s30+$0xFFFFFFA0 ss:$0x1], $0xffff  }
0x67: {  	v12 =	vand.u32 $0x7FFFFFFF, v13;
	v11 =	vsub.f32 v10, v16;
	v3 =	vmov v17;
	v9 =	vld.idx.msk [tilespmem:v0+s30+$0xFFFFFF90 ss:$0x1], $0xffff  }
0x68: {  	s31 =	sadd.s32 $0x200, s31;
	v12 =	vadd.f32 v12, v15;
	v5 =	vmov v14;
	v10 =	vld.idx.msk [tilespmem:v2+s30+$0xFFFFFFC0 ss:$0x1], $0xffff  }
0x69: {  	_ =	sdelay $0x3  }
0x6a: {  	v13 =	vld.idx.msk [tilespmem:v1+s30+$0xFFFFFF90 ss:$0x1], $0xffff  }
0x6b: {  	v14 =	vld.idx.msk [tilespmem:v2+s30+$0xFFFFFFD0 ss:$0x1], $0xffff  }
0x6c: {  	v15 =	vld.idx.msk [tilespmem:v1+s30+$0xFFFFFFA0 ss:$0x1], $0xffff  }
0x6d: {  	v16 =	vld.idx.msk [tilespmem:v2+s30+$0xFFFFFFE0 ss:$0x1], $0xffff  }
0x6e: {  	v17 =	vld.idx.msk [tilespmem:v1+s30+$0xFFFFFFB0 ss:$0x1], $0xffff  }
0x6f: {  	v18 =	vld.idx.msk [tilespmem:v2+s30+$0xFFFFFFF0 ss:$0x1], $0xffff;
	v10 =	vadd.f32 v13, v10  }
0x70: {  	v49 =	vld.idx.msk [tilespmem:v1+s30+$0xFFFFFFC0 ss:$0x1], $0xffff  }
0x71: {  	v11 =	vand.u32 $0x7FFFFFFF, v11;
	v50 =	vld.idx.msk [tilespmem:v2+s30+$0x0 ss:$0x1], $0xffff;
	v14 =	vadd.f32 v15, v14;
	v9 =	vsub.f32 v10, v9  }
0x72: {  	v51 =	vld.idx.msk [tilespmem:v1+s30+$0xFFFFFFD0 ss:$0x1], $0xffff;
	v11 =	vadd.f32 v11, v12  }
0x73: {  	v52 =	vld.idx.msk [tilespmem:v2+s30+$0x10 ss:$0x1], $0xffff;
	v53 =	vadd.f32 v17, v16;
	v8 =	vsub.f32 v14, v8;
	v9 =	vand.u32 $0x7FFFFFFF, v9  }
0x74: {  	v54 =	vld.idx.msk [tilespmem:v1+s30+$0xFFFFFFE0 ss:$0x1], $0xffff;
	v9 =	vadd.f32 v9, v11  }
0x75: {  	v55 =	vld.idx.msk [tilespmem:v2+s30+$0x20 ss:$0x1], $0xffff;
	v13 =	vadd.f32 v49, v18;
	v7 =	vsub.f32 v53, v7;
	v8 =	vand.u32 $0x7FFFFFFF, v8  }
0x76: {  	v56 =	vld.idx.msk [tilespmem:v1+s30+$0xFFFFFFF0 ss:$0x1], $0xffff;
	v8 =	vadd.f32 v8, v9  }
0x77: {  	v57 =	vld.idx.msk [tilespmem:v2+s30+$0x30 ss:$0x1], $0xffff;
	v58 =	vadd.f32 v51, v50;
	v6 =	vsub.f32 v13, v6;
	v7 =	vand.u32 $0x7FFFFFFF, v7  }
0x78: {  	v59 =	vld.idx.msk [tilespmem:v1+s30+$0x0 ss:$0x1], $0xffff;
	v7 =	vadd.f32 v7, v8  }
0x79: {  	v60 =	vadd.f32 v54, v52;
	v4 =	vsub.f32 v58, v4;
	v6 =	vand.u32 $0x7FFFFFFF, v6  }
0x7a: {  	v0 =	vld.idx.msk [tilespmem:v0+s30+$0x0 ss:$0x1], $0xffff;
	v6 =	vadd.f32 v6, v7  }
0x7b: {  	v61 =	vadd.f32 v56, v55;
	v5 =	vsub.f32 v60, v5;
	v4 =	vand.u32 $0x7FFFFFFF, v4  }
0x7c: {  	v4 =	vadd.f32 v4, v6  }
0x7d: {  	v1 =	vadd.f32 v59, v57;
	v3 =	vsub.f32 v61, v3;
	v5 =	vand.u32 $0x7FFFFFFF, v5  }
0x7e: {  	s31 =	sadd.s32 s24, s25;
	s25 =	sadd.s32 $0x1, s25;
	v62 =	vadd.f32 v5, v4  }
0x7f: {  	p1 =	sne.s32 s25, $0x8;
	v0 =	vsub.f32 v1, v0;
	v3 =	vand.u32 $0x7FFFFFFF, v3  }
.Ltmp1:
0x80: {  	v63 =	vadd.f32 v3, v62;
	(pc) =	sbr.rel @p1 .LBB2_3-.Ltmp1, $4  }
0x81: {  	v0 =	vand.u32 $0x7FFFFFFF, v0  }
0x82: {  	s30 =	sshll.u32 s31, $0x4;
	v0 =	vadd.f32 v0, v63  }
0x83: {  	s30 =	sand.u32 $0x3FFFFFF0, s30  }
0x84: {  	s26 =	sadd.s32 $0x800, s26;
	s28 =	sadd.s32 $0x800, s28;
	s29 =	sadd.s32 $0x800, s29;
	[tilespmem:s30+$0xC180] =	vst v0  }
0x85: {  	s23 =	sadd.s32 $0x1, s23  }
0x86: {  	p1 =	sne.s32 s23, $0x40  }
.Ltmp2:
0x87: {  	_ = 	snop;
	(pc) =	sbr.rel @p1 .LBB2_2-.Ltmp2, $1  }
0x88: {  	_ =	sdelay $0x3  }
0x89: {  	s24 =	simm.s32 $0x0  }
0x8a: {  	s23 =	simm.f32 $0.0e+00;
	s25 =	simm.s32 $0xC180;
	s26 =	simm.s32 $0x0  }
.LBB2_8:
0x8b: {  	s28 =	sshll.u32 s26, $0x7  }
0x8c: {  	s28 =	sor.u32 s11, s28  }
0x8d: {  	s28 =	sshrl.u32 s28, $0x3  }
0x8e: {  	s29 =	sadd.s32 s5, s28  }
0x8f: {  	[tilespmem:s24], [sflag:$0x4] =	stream.linear.gather [hbm4b:s29+s24], $0x80, $0x38;
	[tilespmem:$0xE208] =	vst v63  }
0x90: {  	_ =	swait.ge [sflag:s14], $0x80  }
0x91: {  	[sflag:s14] =	ssyncset.done $0x0  }
0x92: {  	s29 =	sadd.s32 s6, s28;
	[sflag:s14] =	ssyncadd.s32 $0xFFFFFF80  }
0x93: {  	[tilespmem:s15], [sflag:$0x4] =	stream.linear.gather [hbm4b:s29+s24], $0x80, $0x38;
	[tilespmem:$0xE208] =	vst v63  }
0x94: {  	_ =	swait.ge [sflag:s14], $0x80  }
0x95: {  	[sflag:s14] =	ssyncset.done $0x0  }
0x96: {  	s28 =	sadd.s32 s7, s28;
	[sflag:s14] =	ssyncadd.s32 $0xFFFFFF80  }
0x97: {  	[tilespmem:s16], [sflag:$0x4] =	stream.linear.gather [hbm4b:s28+s24], $0x80, $0x38;
	[tilespmem:$0xE208] =	vst v63  }
0x98: {  	_ =	swait.ge [sflag:s14], $0x80  }
0x99: {  	[sflag:s14] =	ssyncset.done $0x0  }
0x9a: {  	[sflag:s14] =	ssyncadd.s32 $0xFFFFFF80  }
0x9b: {  	[tilespmem:s17], [sflag:$0x1] =	stream.indirect.gather [hbm4b:s1+s15], $0x80, s24, s15, $0xb8;
	[tilespmem:$0xE208] =	vst v63  }
0x9c: {  	_ = 	snop  }
0x9d: {  	[tilespmem:s18], [sflag:$0x2] =	stream.indirect.gather [hbm4b:s2+s15], $0x80, s15, s15, $0xb8;
	[tilespmem:$0xE208] =	vst v63  }
0x9e: {  	_ = 	snop  }
0x9f: {  	[tilespmem:s19], [sflag:$0x3] =	stream.indirect.gather [hbm4b:s1+s15], $0x80, s16, s15, $0xb8;
	[tilespmem:$0xE208] =	vst v63  }
0xa0: {  	_ =	swait.ge [sflag:s20], $0x4000  }
0xa1: {  	[sflag:s20] =	ssyncset.done $0x0  }
0xa2: {  	[sflag:s20] =	ssyncadd.s32 $0xFFFFC000  }
0xa3: {  	_ =	swait.ge [sflag:s21], $0x4000  }
0xa4: {  	[sflag:s21] =	ssyncset.done $0x0  }
0xa5: {  	[sflag:s21] =	ssyncadd.s32 $0xFFFFC000  }
0xa6: {  	_ =	swait.ge [sflag:s22], $0x4000  }
0xa7: {  	[sflag:s22] =	ssyncset.done $0x0  }
0xa8: {  	s28 =	simm.s32 $0x0;
	[sflag:s22] =	ssyncadd.s32 $0xFFFFC000  }
0xa9: {  	v0 =	vld [tilespmem:s28+$0x81E0]  }
0xaa: {  	v1 =	vld [tilespmem:s28+$0x81D0]  }
0xab: {  	v2 =	vld [tilespmem:s28+$0x81C0]  }
0xac: {  	v3 =	vld [tilespmem:s28+$0x81B0]  }
0xad: {  	v4 =	vld [tilespmem:s28+$0x1B0]  }
0xae: {  	v5 =	vld [tilespmem:s28+$0x8180]  }
0xaf: {  	v6 =	vld [tilespmem:s28+$0x1A0]  }
0xb0: {  	v7 =	vld [tilespmem:s28+$0x180]  }
0xb1: {  	v8 =	vld [tilespmem:s28+$0x4180]  }
0xb2: {  	v9 =	vld [tilespmem:s28+$0x190]  }
0xb3: {  	v10 =	vld [tilespmem:s28+$0x4190]  }
0xb4: {  	v11 =	vld [tilespmem:s28+$0x41A0]  }
0xb5: {  	v12 =	vld [tilespmem:s28+$0x8190]  }
0xb6: {  	v13 =	vld [tilespmem:s28+$0x41B0]  }
0xb7: {  	v14 =	vld [tilespmem:s28+$0x81A0]  }
0xb8: {  	v15 =	vld [tilespmem:s28+$0x1C0]  }
0xb9: {  	v16 =	vld [tilespmem:s28+$0x41C0]  }
0xba: {  	v17 =	vld [tilespmem:s28+$0x1D0]  }
0xbb: {  	v18 =	vld [tilespmem:s28+$0x41D0]  }
0xbc: {  	v19 =	vld [tilespmem:s28+$0x1E0];
	v7 =	vadd.f32 v8, v7;
	v8 =	vadd.f32 v10, v9  }
0xbd: {  	v20 =	vld [tilespmem:s28+$0x41E0];
	v6 =	vadd.f32 v11, v6  }
0xbe: {  	v21 =	vld [tilespmem:s28+$0x1F0];
	v5 =	vsub.f32 v7, v5;
	v7 =	vsub.f32 v8, v12  }
0xbf: {  	v22 =	vld [tilespmem:s28+$0x41F0];
	v4 =	vadd.f32 v13, v4  }
0xc0: {  	v23 =	vld [tilespmem:s25+$0x0];
	v6 =	vsub.f32 v6, v14;
	v5 =	vand.u32 $0x7FFFFFFF, v5;
	v7 =	vand.u32 $0x7FFFFFFF, v7  }
0xc1: {  	s30 =	simm.s32 $0x80;
	v24 =	vld [tilespmem:s28+$0x81F0];
	v5 =	vadd.f32 v7, v5  }
0xc2: {  	v57 =	vld [tilespmem:s30+$0x8180];
	v3 =	vsub.f32 v4, v3;
	v4 =	vand.u32 $0x7FFFFFFF, v6;
	v6 =	vadd.f32 v16, v15  }
0xc3: {  	v58 =	vld [tilespmem:s30+$0x180];
	v4 =	vadd.f32 v4, v5  }
0xc4: {  	v59 =	vld [tilespmem:s30+$0x190];
	v3 =	vand.u32 $0x7FFFFFFF, v3;
	v2 =	vsub.f32 v6, v2;
	v6 =	vadd.f32 v18, v17  }
0xc5: {  	v60 =	vld [tilespmem:s30+$0x41A0];
	v3 =	vadd.f32 v3, v4  }
0xc6: {  	v61 =	vld [tilespmem:s30+$0x8190];
	v1 =	vsub.f32 v6, v1;
	v2 =	vand.u32 $0x7FFFFFFF, v2;
	v6 =	vadd.f32 v20, v19  }
0xc7: {  	v5 =	vld [tilespmem:s30+$0x4180];
	v2 =	vadd.f32 v2, v3  }
0xc8: {  	v4 =	vld [tilespmem:s30+$0x4190];
	v1 =	vand.u32 $0x7FFFFFFF, v1;
	v0 =	vsub.f32 v6, v0;
	v3 =	vadd.f32 v22, v21  }
0xc9: {  	v7 =	vld [tilespmem:s30+$0x1A0];
	v1 =	vadd.f32 v1, v2  }
0xca: {  	v11 =	vld [tilespmem:s30+$0x1B0];
	v0 =	vand.u32 $0x7FFFFFFF, v0;
	v2 =	vsub.f32 v3, v24  }
0xcb: {  	v6 =	vld [tilespmem:s30+$0x41B0];
	v0 =	vadd.f32 v0, v1  }
0xcc: {  	v5 =	vadd.f32 v5, v58;
	v3 =	vld [tilespmem:s30+$0x81A0];
	v2 =	vand.u32 $0x7FFFFFFF, v2  }
0xcd: {  	v62 =	vld [tilespmem:s30+$0x1C0];
	v4 =	vadd.f32 v4, v59;
	v0 =	vadd.f32 v2, v0  }
0xce: {  	v8 =	vld [tilespmem:s30+$0x81B0];
	v5 =	vsub.f32 v5, v57;
	v1 =	vadd.f32 v60, v7  }
0xcf: {  	v7 =	vld [tilespmem:s30+$0x41C0];
	v4 =	vsub.f32 v4, v61;
	v0 =	vsub.f32 v0, v23  }
0xd0: {  	v5 =	vand.u32 $0x7FFFFFFF, v5  }
0xd1: {  	v10 =	vld [tilespmem:s30+$0x81C0];
	v2 =	vadd.f32 v6, v11;
	v4 =	vand.u32 $0x7FFFFFFF, v4;
	v1 =	vsub.f32 v1, v3;
	(xrf2) =	vadd.scan.msk.f32 $0xffff, v0  }
0xd2: {  	v4 =	vadd.f32 v4, v5  }
0xd3: {  	v2 =	vsub.f32 v2, v8;
	v8 =	vld [tilespmem:s30+$0x1F0];
	v1 =	vand.u32 $0x7FFFFFFF, v1  }
0xd4: {  	v7 =	vadd.f32 v7, v62;
	v1 =	vadd.f32 v1, v4;
	v4 =	vld [tilespmem:s30+$0x41F0]  }
0xd5: {  	v63 =	vld [tilespmem:s30+$0x1D0]  }
0xd6: {  	v0 =	vand.u32 $0x7FFFFFFF, v2;
	v2 =	vsub.f32 v7, v10;
	v10 =	vld [tilespmem:s30+$0x81F0]  }
0xd7: {  	v9 =	vld [tilespmem:s30+$0x81D0]  }
0xd8: {  	v6 =	vld [tilespmem:s30+$0x41D0]  }
0xd9: {  	v3 =	vld [tilespmem:s30+$0x1E0];
	v8 =	vadd.f32 v4, v8  }
0xda: {  	v5 =	vld [tilespmem:s30+$0x41E0]  }
0xdb: {  	v8 =	vsub.f32 v8, v10;
	v10, _, _ =	vpop (xrf2)  }
0xdc: {  	v25 =	vld [tilespmem:s30+$0x81E0];
	(v2sf) =	vpush v10, $0xF  }
0xdd: {  	s28 =	sadd.s32 $0x10, s25;
	v6 =	vadd.f32 v6, v63  }
0xde: {  	s29 =	simm.s32 $0x100;
	v11 =	vld [tilespmem:s28+$0x0];
	v7 =	vadd.f32 v0, v1  }
0xdf: {  	v1 =	vld [tilespmem:s29+$0x81E0];
	v2 =	vand.u32 $0x7FFFFFFF, v2;
	v6 =	vsub.f32 v6, v9;
	v3 =	vadd.f32 v5, v3  }
0xe0: {  	v0 =	vld [tilespmem:s29+$0x81D0];
	v5 =	vadd.f32 v2, v7  }
0xe1: {  	v2 =	vld [tilespmem:s29+$0x81C0];
	v6 =	vand.u32 $0x7FFFFFFF, v6;
	v7 =	vsub.f32 v3, v25  }
0xe2: {  	v3 =	vld [tilespmem:s29+$0x81B0];
	v6 =	vadd.f32 v6, v5  }
0xe3: {  	v4 =	vld [tilespmem:s29+$0x1B0];
	v7 =	vand.u32 $0x7FFFFFFF, v7  }
0xe4: {  	v5 =	vld [tilespmem:s29+$0x8180];
	v6 =	vadd.f32 v7, v6  }
0xe5: {  	v7 =	vld [tilespmem:s29+$0x1A0];
	v9 =	vand.u32 $0x7FFFFFFF, v8  }
0xe6: {  	v8 =	vld [tilespmem:s29+$0x180];
	v6 =	vadd.f32 v9, v6  }
0xe7: {  	v9 =	vld [tilespmem:s29+$0x4180]  }
0xe8: {  	s30 =	simm.s32 $0x600;
	v10 =	vld [tilespmem:s29+$0x190];
	v6 =	vsub.f32 v6, v11  }
.LBB2_9:
0xe9: {  	p1 =	sne.s32 s30, $0xFE00;
	v11 =	vld [tilespmem:s29+$0x4190]  }
0xea: {  	v12 =	vld [tilespmem:s29+$0x41A0];
	(xrf2) =	vadd.scan.msk.f32 $0xffff, v6  }
0xeb: {  	v6 =	vld [tilespmem:s29+$0x8190];
	s31 =	spop (v2sf)  }
0xec: {  	v13 =	vld [tilespmem:s29+$0x41B0];
	s31 =	smul.f32 $7.812500000e-03, s31  }
0xed: {  	v14 =	vld [tilespmem:s29+$0x81A0]  }
0xee: {  	v8 =	vadd.f32 v9, v8;
	v9 =	vadd.f32 v11, v10;
	v10 =	vld [tilespmem:s29+$0x1C0];
	s31 =	sadd.f32 $1.000000000e+00, s31  }
0xef: {  	v7 =	vadd.f32 v12, v7;
	v11 =	vld [tilespmem:s29+$0x41C0]  }
0xf0: {  	v5 =	vsub.f32 v8, v5;
	v6 =	vsub.f32 v9, v6;
	v8 =	vld [tilespmem:s29+$0x1D0];
	s31 =	smax.f32 s31, $0.0e+00  }
0xf1: {  	v4 =	vadd.f32 v13, v4;
	v9 =	vld [tilespmem:s29+$0x41D0];
	s23 =	sadd.f32 s31, s23  }
0xf2: {  	v5 =	vand.u32 $0x7FFFFFFF, v5;
	v6 =	vand.u32 $0x7FFFFFFF, v6;
	v7 =	vsub.f32 v7, v14;
	v12 =	vld [tilespmem:s29+$0x1E0]  }
0xf3: {  	v5 =	vadd.f32 v6, v5;
	v6 =	vld [tilespmem:s29+$0x41E0]  }
0xf4: {  	v3 =	vsub.f32 v4, v3;
	v7 =	vand.u32 $0x7FFFFFFF, v7;
	v4 =	vadd.f32 v11, v10;
	v10 =	vld [tilespmem:s29+$0x1F0];
	v11, _, _ =	vpop (xrf2)  }
0xf5: {  	s28 =	sadd.s32 $0x10, s28;
	v5 =	vadd.f32 v7, v5;
	v7 =	vld [tilespmem:s29+$0x41F0];
	(v2sf) =	vpush v11, $0xF  }
0xf6: {  	v3 =	vand.u32 $0x7FFFFFFF, v3;
	v2 =	vsub.f32 v4, v2;
	v4 =	vadd.f32 v9, v8;
	v11 =	vld [tilespmem:s28+$0x0]  }
0xf7: {  	v3 =	vadd.f32 v3, v5;
	v5 =	vld [tilespmem:s29+$0x81F0];
	s29 =	sshra.s32 s30, $0x2  }
0xf8: {  	v8 =	vld [tilespmem:s29+$0x81E0];
	v2 =	vand.u32 $0x7FFFFFFF, v2;
	v4 =	vsub.f32 v4, v0;
	v6 =	vadd.f32 v6, v12  }
0xf9: {  	v0 =	vld [tilespmem:s29+$0x81D0];
	v9 =	vadd.f32 v2, v3  }
0xfa: {  	v2 =	vld [tilespmem:s29+$0x81C0];
	v4 =	vand.u32 $0x7FFFFFFF, v4;
	v12 =	vsub.f32 v6, v1;
	v6 =	vadd.f32 v7, v10  }
0xfb: {  	v3 =	vld [tilespmem:s29+$0x81B0];
	v7 =	vadd.f32 v4, v9  }
0xfc: {  	v4 =	vld [tilespmem:s29+$0x1B0];
	v10 =	vand.u32 $0x7FFFFFFF, v12;
	v6 =	vsub.f32 v6, v5  }
.Ltmp3:
0xfd: {  	v5 =	vld [tilespmem:s29+$0x8180];
	v9 =	vadd.f32 v10, v7;
	v1 =	vmov v8;
	(pc) =	sbr.rel @p1 .LBB2_9-.Ltmp3, $4  }
0xfe: {  	v7 =	vld [tilespmem:s29+$0x1A0];
	v6 =	vand.u32 $0x7FFFFFFF, v6  }
0xff: {  	v8 =	vld [tilespmem:s29+$0x180];
	v6 =	vadd.f32 v6, v9  }
0x100: {  	v9 =	vld [tilespmem:s29+$0x4180]  }
0x101: {  	s30 =	sadd.s32 $0x200, s30;
	v10 =	vld [tilespmem:s29+$0x190];
	v6 =	vsub.f32 v6, v11  }
0x102: {  	v11 =	vld [tilespmem:s29+$0x4190]  }
0x103: {  	v12 =	vld [tilespmem:s29+$0x41A0]  }
0x104: {  	v13 =	vld [tilespmem:s29+$0x8190]  }
0x105: {  	v14 =	vld [tilespmem:s29+$0x41B0]  }
0x106: {  	v15 =	vld [tilespmem:s29+$0x81A0]  }
0x107: {  	v46 =	vld [tilespmem:s29+$0x1C0];
	v8 =	vadd.f32 v9, v8;
	v45 =	vadd.f32 v11, v10  }
0x108: {  	v47 =	vld [tilespmem:s29+$0x41C0];
	v7 =	vadd.f32 v12, v7  }
0x109: {  	v49 =	vld [tilespmem:s29+$0x1D0];
	v5 =	vsub.f32 v8, v5;
	v48 =	vsub.f32 v45, v13  }
0x10a: {  	v50 =	vld [tilespmem:s29+$0x41D0];
	v4 =	vadd.f32 v14, v4  }
0x10b: {  	v51 =	vld [tilespmem:s29+$0x1E0];
	v5 =	vand.u32 $0x7FFFFFFF, v5;
	v7 =	vsub.f32 v7, v15;
	v8 =	vand.u32 $0x7FFFFFFF, v48  }
0x10c: {  	v52 =	vld [tilespmem:s29+$0x41E0];
	v5 =	vadd.f32 v8, v5  }
0x10d: {  	v54 =	vld [tilespmem:s29+$0x1F0];
	v53 =	vadd.f32 v47, v46;
	v3 =	vsub.f32 v4, v3;
	v7 =	vand.u32 $0x7FFFFFFF, v7  }
0x10e: {  	v55 =	vld [tilespmem:s29+$0x41F0];
	v5 =	vadd.f32 v7, v5  }
0x10f: {  	v56 =	vadd.f32 v50, v49;
	v2 =	vsub.f32 v53, v2;
	v3 =	vand.u32 $0x7FFFFFFF, v3  }
0x110: {  	v57 =	vld [tilespmem:s29+$0x81F0];
	v3 =	vadd.f32 v3, v5  }
0x111: {  	v58 =	vadd.f32 v52, v51;
	v0 =	vsub.f32 v56, v0;
	v2 =	vand.u32 $0x7FFFFFFF, v2  }
0x112: {  	v2 =	vadd.f32 v2, v3  }
0x113: {  	v59 =	vadd.f32 v55, v54;
	v1 =	vsub.f32 v58, v1;
	v0 =	vand.u32 $0x7FFFFFFF, v0  }
0x114: {  	s28 =	sadd.s32 $0x10, s28;
	v0 =	vadd.f32 v0, v2  }
0x115: {  	v60 =	vld [tilespmem:s28+$0x0];
	v1 =	vand.u32 $0x7FFFFFFF, v1;
	v3 =	vsub.f32 v59, v57  }
0x116: {  	v0 =	vadd.f32 v1, v0  }
0x117: {  	v61 =	vand.u32 $0x7FFFFFFF, v3  }
0x118: {  	v0 =	vadd.f32 v61, v0;
	_ =	sdelay $0x1  }
0x119: {  	(xrf2) =	vadd.scan.msk.f32 $0xffff, v6;
	v0 =	vsub.f32 v0, v60;
	_ =	sdelay $0x1  }
0x11a: {  	(xrf2) =	vadd.scan.msk.f32 $0xffff, v0;
	_ =	sdelay $0x7  }
0x11b: {  	v62, _, _ =	vpop (xrf2)  }
0x11c: {  	(v2sf) =	vpush v62, $0xF  }
0x11d: {  	v63, _, _ =	vpop (xrf2)  }
0x11e: {  	(v2sf) =	vpush v63, $0xF;
	_ =	sdelay $0x9  }
0x11f: {  	s29 =	spop (v2sf)  }
0x120: {  	s28 =	smul.f32 $7.812500000e-03, s29;
	_ =	sdelay $0x1  }
0x121: {  	s28 =	sadd.f32 $1.000000000e+00, s28;
	s30 =	spop (v2sf)  }
0x122: {  	s29 =	smul.f32 $7.812500000e-03, s30  }
0x123: {  	s26 =	sadd.s32 $0x1, s26;
	s28 =	smax.f32 s28, $0.0e+00;
	s30 =	spop (v2sf)  }
0x124: {  	p1 =	sne.s32 s26, $0x4;
	s29 =	sadd.f32 $1.000000000e+00, s29;
	s30 =	smul.f32 $7.812500000e-03, s30  }
.Ltmp4:
0x125: {  	s23 =	sadd.f32 s28, s23;
	(pc) =	sbr.rel @p1 .LBB2_8-.Ltmp4, $4  }
0x126: {  	s31 =	smax.f32 s29, $0.0e+00;
	s30 =	sadd.f32 $1.000000000e+00, s30  }
0x127: {  	s23 =	sadd.f32 s31, s23  }
0x128: {  	s31 =	smax.f32 s30, $0.0e+00  }
0x129: {  	s25 =	sadd.s32 $0x800, s25;
	s23 =	sadd.f32 s31, s23  }
0x12a: {  	v0 =	vlaneseq.u32 @p0;
	_ =	sdelay $0x2  }
0x12b: {  	[bflag:$0x0] =	sbarrier.arrive @p0 $0xFFFF;
	v1 =	vmov @p0 s23  }
0x12c: {  	s24 =	simm.s32 @p0 $0xE188;
	[tilespmem:$0xE188] =	vst @p0 v1  }
0x12d: {  	[spmem:s3] =	stream.indirect_vreg.scatter.add.f32 @p0 [tilespmem:s24], [sflag:$0x4], $0x1, v0, vm0, $0xb8;
	[tilespmem:$0xE208] =	vst v63  }
0x12e: {  	s24 =	simm.s32 @p0 $0x4  }
0x12f: {  	_ =	swait.ge @p0 [sflag:s24], $0x10  }
0x130: {  	[sflag:s24] =	ssyncset.done @p0 $0x0  }
0x131: {  	[sflag:s24] =	ssyncadd.s32 @p0 $0xFFFFFFF0  }
0x132: {  	v0 =	vimm.f32 @!p0 $0.0e+00;
	[bflag:$0x0] =	sbarrier.arrive @p0 $0xFFFF  }
0x133: {  	s25 =	simm.s32 @!p0 $0x4;
	s24 =	simm.s32 @!p0 $0xE188;
	[tilespmem:$0xE188] =	vst @!p0 v0  }
0x134: {  	[spmem:s3] =	stream.linear.scatter @!p0 [tilespmem:s24], [sflag:$0x4], $0x80, $0x38;
	[tilespmem:$0xE208] =	vst v63  }
0x135: {  	v0 =	vlaneseq.u32 @!p0;
	_ =	swait.ge @!p0 [sflag:s25], $0x80  }
0x136: {  	[sflag:s25] =	ssyncset.done @!p0 $0x0  }
0x137: {  	[sflag:s25] =	ssyncadd.s32 @!p0 $0xFFFFFF80  }
0x138: {  	v1 =	vmov @!p0 s23;
	[bflag:$0x0] =	sbarrier.arrive @!p0 $0xFFFF  }
0x139: {  	[tilespmem:$0xE188] =	vst @!p0 v1  }
0x13a: {  	[spmem:s3] =	stream.indirect_vreg.scatter.add.f32 @!p0 [tilespmem:s24], [sflag:$0x4], $0x1, v0, vm1, $0xb8;
	[tilespmem:$0xE208] =	vst v63  }
0x13b: {  	_ =	swait.ge @!p0 [sflag:s25], $0x10  }
0x13c: {  	[sflag:s25] =	ssyncset.done @!p0 $0x0  }
0x13d: {  	[sflag:s25] =	ssyncadd.s32 @!p0 $0xFFFFFFF0  }
0x13e: {  	[bflag:$0x0] =	sbarrier.arrive @!p0 $0xFFFF  }
0x13f: {  	[tilespmem:s24], [sflag:$0x4] =	stream.linear.gather @!p0 [spmem:s3], $0x80, $0x38;
	[tilespmem:$0xE208] =	vst v63  }
0x140: {  	s4 =	sadd.s32 $0x1, s4;
	_ =	swait.ge @!p0 [sflag:s25], $0x80  }
0x141: {  	p1 =	sne.s32 s4, s13;
	[sflag:s25] =	ssyncset.done @!p0 $0x0  }
.Ltmp5:
0x142: {  	s23 =	simm.s32 @!p0 $0x0;
	[sflag:s25] =	ssyncadd.s32 @!p0 $0xFFFFFF80;
	(pc) =	sbr.rel @p1 .LBB2_1-.Ltmp5, $4  }
0x143: {  	[hbm4b:s12+s23] =	stream.linear.scatter @!p0 [tilespmem:s24], [sflag:$0x4], $0x80, $0x38;
	[tilespmem:$0xE208] =	vst v63  }
0x144: {  	_ =	swait.ge @!p0 [sflag:s25], $0x80  }
0x145: {  	[sflag:s25] =	ssyncset.done @!p0 $0x0  }
0x146: {  	[sflag:s25] =	ssyncadd.s32 @!p0 $0xFFFFFF80  }
0x147: {  	_ =	sfence.sel $0x180000  }
0x148: {  	[bflag:$0x0] =	sbarrier.arrive $0xFFFF  }
0x149: {  	_ =	strace $0x90000047  }
0x14a: {  	s0 =	sadd.s32 @!p0 $0x100000, s0;
	[bflag:$0x2] =	sbarrier.arrive $0xFFFF  }
0x14b: {  	[sflag:s0] =	ssyncadd.tile.s32 @!p0 $0x1;
	_ =	shalt  }
.Lfunc_end2:
_tile_overlayer_lowered:
.L_overlay_start_2:
0x14c: {  	(tag) =	ssettag $0x2  }
0x14d: {  	s0 =	rddreg [dreg:$0x0];
	s2 =	stileid.u32  }
0x14e: {  	s1 =	rddreg [dreg:$0x1];
	p0 =	sne.s32 s2, $0x0  }
0x14f: {  	s3 =	rddreg [dreg:$0x2];
	[bflag:$0x3] =	sbarrier.arrive $0xFFFF;
	s2 =	simm.s32 @!p0 $0x1C04  }
0x150: {  	[timem:s3], [sflag:s2] =	dma.local @!p0 [hbm:s0], s1  }
0x151: {  	s0 =	simm.s32 @!p0 $0x4  }
0x152: {  	_ =	swait.ge @!p0 [sflag:s0], s1  }
0x153: {  	s1 =	ssub.s32 @!p0 $0x0, s1;
	[sflag:s0] =	ssyncset.done @!p0 $0x0  }
0x154: {  	[sflag:s0] =	ssyncadd.s32 @!p0 s1  }
0x155: {  	[bflag:$0x3] =	sbarrier.arrive $0xFFFF  }
0x156: {  	_ =	shalt  }

</sc_bundles>
